<compile_context>
chip_gen: v7x
topology: tpu7x:2x2x1
jax: 0.10.2.dev20260603
libtpu: 0.0.44.dev20260713+nightly
codegen_flags: <defaults>
</compile_context>

<pallas_src>
import functools
import jax
import jax.numpy as jnp
from jax import lax
from jax.experimental import pallas as pl
from jax.experimental.pallas import tpu as pltpu
from jax.experimental.pallas import tpu_sc as plsc


def _build(Bb, S, V, D, dtype):
    info = plsc.get_sparse_core_info()
    NC, NS = info.num_cores, info.num_subcores
    NW = NC * NS
    B = Bb * S
    assert B % NW == 0 and NW % Bb == 0 and S % (NW // Bb) == 0
    w_per_row = NW // Bb
    b_per_w = B // NW
    bufrows = (56, 32, 32)
    sizes = list(bufrows) * 4 + [32]
    assert sum(sizes) == b_per_w
    offs = [0]
    for s in sizes[:-1]:
        offs.append(offs[-1] + s)
    nchunk = len(sizes)
    nbuf = len(bufrows)
    lookahead = 2

    mesh = plsc.VectorSubcoreMesh(core_axis_name="c", subcore_axis_name="s")

    @functools.partial(
        pl.kernel,
        mesh=mesh,
        out_type=jax.ShapeDtypeStruct((Bb, S, D), dtype),
        scratch_types=[
            pltpu.VMEM((b_per_w,), jnp.int32),
        ]
        + [pltpu.VMEM((r, D), dtype) for r in bufrows]
        + [pltpu.SemaphoreType.DMA] * (2 * nbuf),
    )
    def embed(idx_hbm, table_hbm, out_hbm, idx_v, *rest):
        bufs = list(rest[:nbuf])
        gsem = rest[nbuf : 2 * nbuf]
        ssem = rest[2 * nbuf :]
        wid = lax.axis_index("s") * NC + lax.axis_index("c")
        b_idx = wid // w_per_row
        col0 = (wid % w_per_row) * b_per_w
        pltpu.sync_copy(idx_hbm.at[b_idx, pl.ds(col0, b_per_w)], idx_v)
        gathers = [None] * nbuf
        scatters = [None] * nbuf

        def dst(i):
            b = i % nbuf
            ref = bufs[b]
            if sizes[i] != ref.shape[0]:
                ref = ref.at[pl.ds(0, sizes[i])]
            return ref

        def start_gather(i):
            b = i % nbuf
            gathers[b] = pltpu.async_copy(
                table_hbm.at[idx_v.at[pl.ds(offs[i], sizes[i])]],
                dst(i),
                gsem[b],
            )

        for i in range(min(lookahead, nchunk)):
            start_gather(i)
        for i in range(nchunk):
            b = i % nbuf
            gathers[b].wait()
            scatters[b] = pltpu.async_copy(
                dst(i),
                out_hbm.at[b_idx, pl.ds(col0 + offs[i], sizes[i])],
                ssem[b],
            )
            j = i + lookahead
            if j < nchunk:
                bj = j % nbuf
                if scatters[bj] is not None:
                    scatters[bj].wait()
                start_gather(j)
        for b in range(nbuf):
            if scatters[b] is not None:
                scatters[b].wait()

    return embed


def kernel(x, embedding):
    Bb, S = x.shape
    V, D = embedding.shape
    embed = _build(Bb, S, V, D, embedding.dtype)
    return embed(x.astype(jnp.int32), embedding)

# --- scband reference (transcript-rebuilt; emitter-appended) ---
"""Pipeline reference for scband-tensor-parallel-qwen-embed-20495583936686 (READ-ONLY COPY).

The authoritative reference and input builder live on the scoring server;
editing this copy changes nothing except your own understanding.
"""

import jax, jax.numpy as jnp
import numpy as np

VOCAB_SIZE = 100000
EMBED_DIM = 1024
BATCH = 4
SEQ_LEN = 4096

def setup_inputs(seed: int = 0) -> dict:
    key = jax.random.key(seed)
    k_idx, k_emb = jax.random.split(key)
    x = jax.random.randint(k_idx, (BATCH, SEQ_LEN), 0, VOCAB_SIZE, dtype=jnp.int64 if jax.config.jax_enable_x64 else jnp.int32)
    embedding = jax.random.normal(k_emb, (VOCAB_SIZE, EMBED_DIM), dtype=jnp.float32) * 0.02
    return {"x": x, "embedding": embedding}

def reference(x, embedding):
    # Faithful translation of TensorParallelQwenEmbed.__call__:
    # embedding table lookup via jnp.take along axis 0.
    return jnp.take(embedding, x, axis=0)

if __name__ == "__main__":
    import jax
    _d = setup_inputs()
    print(jax.jit(kernel)(*tuple(_d.values())))

</pallas_src>

<mosaic_0001>
#map = affine_map<(d0, d1) -> (0, 0)>
#map1 = affine_map<(d0, d1) -> (0, 0, 0)>
module attributes {stable_mosaic.version = 14 : i64} {
  func.func @embed(%arg0: i32, %arg1: i32, %arg2: memref<4x4096xi32, #tpu.memory_space<hbm>>, %arg3: memref<100000x1024xf32, #tpu.memory_space<hbm>>, %arg4: memref<4x4096x1024xf32, #tpu.memory_space<hbm>>, %arg5: memref<512xi32, #tpu.memory_space<vmem>>, %arg6: memref<56x1024xf32, #tpu.memory_space<vmem>>, %arg7: memref<32x1024xf32, #tpu.memory_space<vmem>>, %arg8: memref<32x1024xf32, #tpu.memory_space<vmem>>, %arg9: memref<!tpu.dma_semaphore, #tpu.memory_space<semaphore_mem>>, %arg10: memref<!tpu.dma_semaphore, #tpu.memory_space<semaphore_mem>>, %arg11: memref<!tpu.dma_semaphore, #tpu.memory_space<semaphore_mem>>, %arg12: memref<!tpu.dma_semaphore, #tpu.memory_space<semaphore_mem>>, %arg13: memref<!tpu.dma_semaphore, #tpu.memory_space<semaphore_mem>>, %arg14: memref<!tpu.dma_semaphore, #tpu.memory_space<semaphore_mem>>) attributes {dimension_semantics = [#tpu.dimension_semantics<core_parallel>, #tpu.dimension_semantics<subcore_parallel>], iteration_bounds = array<i64: 2, 16>, scalar_prefetch = 0 : i64, scratch_operands = 10 : i64, tpu.core_type = #tpu.core_type<sc_vector_subcore>, window_params = [{transform_indices = #map}, {transform_indices = #map}, {transform_indices = #map1}]} {
    %mul3A = arith.constant 2 : i32
    %mul3A_0 = arith.muli %arg1, %mul3A : i32
    %add3A = arith.addi %mul3A_0, %arg0 : i32
    %jit3A = arith.constant 8 : i32
    %div3A = arith.divsi %add3A, %jit3A : i32
    %sign3A = arith.constant 0 : i32
    %sign3A_1 = arith.cmpi sgt, %add3A, %sign3A : i32
    %sign3A_2 = arith.extui %sign3A_1 : i1 to i32
    %sign3A_3 = arith.constant 0 : i32
    %sign3A_4 = arith.cmpi slt, %add3A, %sign3A_3 : i32
    %sign3A_5 = arith.extui %sign3A_4 : i1 to i32
    %sign3A_6 = arith.subi %sign3A_2, %sign3A_5 : i32
    %sign3A_7 = arith.constant 0 : i32
    %sign3A_8 = arith.cmpi sgt, %jit3A, %sign3A_7 : i32
    %sign3A_9 = arith.extui %sign3A_8 : i1 to i32
    %sign3A_10 = arith.constant 0 : i32
    %sign3A_11 = arith.cmpi slt, %jit3A, %sign3A_10 : i32
    %sign3A_12 = arith.extui %sign3A_11 : i1 to i32
    %sign3A_13 = arith.subi %sign3A_9, %sign3A_12 : i32
    %ne3A = arith.cmpi ne, %sign3A_6, %sign3A_13 : i32
    %rem3A = arith.remsi %add3A, %jit3A : i32
    %ne3A_14 = arith.constant 0 : i32
    %ne3A_15 = arith.cmpi ne, %rem3A, %ne3A_14 : i32
    %and3A = arith.andi %ne3A, %ne3A_15 : i1
    %sub3A = arith.constant 1 : i32
    %sub3A_16 = arith.subi %div3A, %sub3A : i32
    %select_n3A = arith.select %and3A, %sub3A_16, %div3A : i32
    %jit3A_17 = arith.constant 8 : i32
    %eq3A = arith.constant 0 : i32
    %eq3A_18 = arith.cmpi eq, %jit3A_17, %eq3A : i32
    %jit3A_19 = arith.constant 1 : i32
    %select_n3A_20 = arith.select %eq3A_18, %jit3A_19, %jit3A_17 : i32
    %rem3A_21 = arith.remsi %add3A, %select_n3A_20 : i32
    %ne3A_22 = arith.constant 0 : i32
    %ne3A_23 = arith.cmpi ne, %rem3A_21, %ne3A_22 : i32
    %lt3A = arith.constant 0 : i32
    %lt3A_24 = arith.cmpi slt, %rem3A_21, %lt3A : i32
    %lt3A_25 = arith.constant 0 : i32
    %lt3A_26 = arith.cmpi slt, %select_n3A_20, %lt3A_25 : i32
    %ne3A_27 = arith.xori %lt3A_24, %lt3A_26 : i1
    %and3A_28 = arith.andi %ne3A_27, %ne3A_23 : i1
    %add3A_29 = arith.addi %rem3A_21, %select_n3A_20 : i32
    %select_n3A_30 = arith.select %and3A_28, %add3A_29, %rem3A_21 : i32
    %mul3A_31 = arith.constant 512 : i32
    %mul3A_32 = arith.muli %select_n3A_30, %mul3A_31 : i32
    "tpu.region"() ({
      %run_scoped3A = tpu.sem_alloc : memref<!tpu.dma_semaphore, #tpu.memory_space<semaphore_mem>>
      %dma_start3A_361 = tpu.memref_slice %arg2[%select_n3A, %mul3A_32] : memref<4x4096xi32, #tpu.memory_space<hbm>> -> memref<1x512xi32, #tpu.memory_space<hbm>>
      %dma_start3A_362 = tpu.memref_squeeze %dma_start3A_361 : memref<1x512xi32, #tpu.memory_space<hbm>> -> memref<512xi32, #tpu.memory_space<hbm>>
      %dma_start3A_363 = tpu.memref_slice %arg2[%select_n3A, %mul3A_32] : memref<4x4096xi32, #tpu.memory_space<hbm>> -> memref<1x512xi32, #tpu.memory_space<hbm>>
      %dma_start3A_364 = tpu.memref_squeeze %dma_start3A_363 : memref<1x512xi32, #tpu.memory_space<hbm>> -> memref<512xi32, #tpu.memory_space<hbm>>
      tpu.enqueue_dma source(%dma_start3A_364 : memref<512xi32, #tpu.memory_space<hbm>>) target(%arg5 : memref<512xi32, #tpu.memory_space<vmem>>) target_semaphore(%run_scoped3A : memref<!tpu.dma_semaphore, #tpu.memory_space<semaphore_mem>>)
      %dma_wait3A_365 = tpu.memref_slice %arg2[%select_n3A, %mul3A_32] : memref<4x4096xi32, #tpu.memory_space<hbm>> -> memref<1x512xi32, #tpu.memory_space<hbm>>
      %dma_wait3A_366 = tpu.memref_squeeze %dma_wait3A_365 : memref<1x512xi32, #tpu.memory_space<hbm>> -> memref<512xi32, #tpu.memory_space<hbm>>
      %dma_wait3A_367 = tpu.memref_slice %arg2[%select_n3A, %mul3A_32] : memref<4x4096xi32, #tpu.memory_space<hbm>> -> memref<1x512xi32, #tpu.memory_space<hbm>>
      %dma_wait3A_368 = tpu.memref_squeeze %dma_wait3A_367 : memref<1x512xi32, #tpu.memory_space<hbm>> -> memref<512xi32, #tpu.memory_space<hbm>>
      tpu.wait_dma2 semaphore(%run_scoped3A : memref<!tpu.dma_semaphore, #tpu.memory_space<semaphore_mem>>) src(%dma_wait3A_368 : memref<512xi32, #tpu.memory_space<hbm>>) dst(%arg5 : memref<512xi32, #tpu.memory_space<vmem>>)
      tpu.yield
    }) : () -> ()
    %dma_start3A = arith.constant 0 : i32
    %dma_start3A_33 = tpu.memref_slice %arg5[%dma_start3A] : memref<512xi32, #tpu.memory_space<vmem>> -> memref<56xi32, #tpu.memory_space<vmem>>
    %dma_start3A_34 = arith.constant 0 : i32
    %dma_start3A_35 = arith.constant 0 : i32
    %dma_start3A_36 = tpu.memref_slice %arg3[%dma_start3A_34, %dma_start3A_35] : memref<100000x1024xf32, #tpu.memory_space<hbm>> -> memref<100000x1024xf32, #tpu.memory_space<hbm>>
    tpu.enqueue_indirect_dma source(%dma_start3A_36 : memref<100000x1024xf32, #tpu.memory_space<hbm>>) target(%arg6 : memref<56x1024xf32, #tpu.memory_space<vmem>>) offsets(%dma_start3A_33 : memref<56xi32, #tpu.memory_space<vmem>>) semaphore(%arg9 : memref<!tpu.dma_semaphore, #tpu.memory_space<semaphore_mem>>)
    %dma_start3A_37 = arith.constant 56 : i32
    %dma_start3A_38 = tpu.memref_slice %arg5[%dma_start3A_37] : memref<512xi32, #tpu.memory_space<vmem>> -> memref<32xi32, #tpu.memory_space<vmem>>
    %dma_start3A_39 = arith.constant 0 : i32
    %dma_start3A_40 = arith.constant 0 : i32
    %dma_start3A_41 = tpu.memref_slice %arg3[%dma_start3A_39, %dma_start3A_40] : memref<100000x1024xf32, #tpu.memory_space<hbm>> -> memref<100000x1024xf32, #tpu.memory_space<hbm>>
    tpu.enqueue_indirect_dma source(%dma_start3A_41 : memref<100000x1024xf32, #tpu.memory_space<hbm>>) target(%arg7 : memref<32x1024xf32, #tpu.memory_space<vmem>>) offsets(%dma_start3A_38 : memref<32xi32, #tpu.memory_space<vmem>>) semaphore(%arg10 : memref<!tpu.dma_semaphore, #tpu.memory_space<semaphore_mem>>)
    %dma_wait3A = arith.constant 0 : i32
    %dma_wait3A_42 = tpu.memref_slice %arg5[%dma_wait3A] : memref<512xi32, #tpu.memory_space<vmem>> -> memref<56xi32, #tpu.memory_space<vmem>>
    %dma_wait3A_43 = arith.constant 0 : i32
    %dma_wait3A_44 = arith.constant 0 : i32
    %dma_wait3A_45 = tpu.memref_slice %arg3[%dma_wait3A_43, %dma_wait3A_44] : memref<100000x1024xf32, #tpu.memory_space<hbm>> -> memref<100000x1024xf32, #tpu.memory_space<hbm>>
    tpu.wait_indirect_dma semaphore(%arg9 : memref<!tpu.dma_semaphore, #tpu.memory_space<semaphore_mem>>) src(%dma_wait3A_45 : memref<100000x1024xf32, #tpu.memory_space<hbm>>) dst(%arg6 : memref<56x1024xf32, #tpu.memory_space<vmem>>)
    %add3A_46 = arith.constant 0 : i32
    %add3A_47 = arith.addi %mul3A_32, %add3A_46 : i32
    %dma_start3A_48 = arith.constant 0 : i32
    %dma_start3A_49 = tpu.memref_slice %arg4[%select_n3A, %add3A_47, %dma_start3A_48] : memref<4x4096x1024xf32, #tpu.memory_space<hbm>> -> memref<1x56x1024xf32, #tpu.memory_space<hbm>>
    %dma_start3A_50 = tpu.memref_squeeze %dma_start3A_49 : memref<1x56x1024xf32, #tpu.memory_space<hbm>> -> memref<56x1024xf32, #tpu.memory_space<hbm>>
    %dma_start3A_51 = arith.constant 0 : i32
    %dma_start3A_52 = tpu.memref_slice %arg4[%select_n3A, %add3A_47, %dma_start3A_51] : memref<4x4096x1024xf32, #tpu.memory_space<hbm>> -> memref<1x56x1024xf32, #tpu.memory_space<hbm>>
    %dma_start3A_53 = tpu.memref_squeeze %dma_start3A_52 : memref<1x56x1024xf32, #tpu.memory_space<hbm>> -> memref<56x1024xf32, #tpu.memory_space<hbm>>
    tpu.enqueue_dma source(%arg6 : memref<56x1024xf32, #tpu.memory_space<vmem>>) target(%dma_start3A_53 : memref<56x1024xf32, #tpu.memory_space<hbm>>) target_semaphore(%arg12 : memref<!tpu.dma_semaphore, #tpu.memory_space<semaphore_mem>>)
    %dma_start3A_54 = arith.constant 88 : i32
    %dma_start3A_55 = tpu.memref_slice %arg5[%dma_start3A_54] : memref<512xi32, #tpu.memory_space<vmem>> -> memref<32xi32, #tpu.memory_space<vmem>>
    %dma_start3A_56 = arith.constant 0 : i32
    %dma_start3A_57 = arith.constant 0 : i32
    %dma_start3A_58 = tpu.memref_slice %arg3[%dma_start3A_56, %dma_start3A_57] : memref<100000x1024xf32, #tpu.memory_space<hbm>> -> memref<100000x1024xf32, #tpu.memory_space<hbm>>
    tpu.enqueue_indirect_dma source(%dma_start3A_58 : memref<100000x1024xf32, #tpu.memory_space<hbm>>) target(%arg8 : memref<32x1024xf32, #tpu.memory_space<vmem>>) offsets(%dma_start3A_55 : memref<32xi32, #tpu.memory_space<vmem>>) semaphore(%arg11 : memref<!tpu.dma_semaphore, #tpu.memory_space<semaphore_mem>>)
    %dma_wait3A_59 = arith.constant 56 : i32
    %dma_wait3A_60 = tpu.memref_slice %arg5[%dma_wait3A_59] : memref<512xi32, #tpu.memory_space<vmem>> -> memref<32xi32, #tpu.memory_space<vmem>>
    %dma_wait3A_61 = arith.constant 0 : i32
    %dma_wait3A_62 = arith.constant 0 : i32
    %dma_wait3A_63 = tpu.memref_slice %arg3[%dma_wait3A_61, %dma_wait3A_62] : memref<100000x1024xf32, #tpu.memory_space<hbm>> -> memref<100000x1024xf32, #tpu.memory_space<hbm>>
    tpu.wait_indirect_dma semaphore(%arg10 : memref<!tpu.dma_semaphore, #tpu.memory_space<semaphore_mem>>) src(%dma_wait3A_63 : memref<100000x1024xf32, #tpu.memory_space<hbm>>) dst(%arg7 : memref<32x1024xf32, #tpu.memory_space<vmem>>)
    %add3A_64 = arith.constant 56 : i32
    %add3A_65 = arith.addi %mul3A_32, %add3A_64 : i32
    %dma_start3A_66 = arith.constant 0 : i32
    %dma_start3A_67 = tpu.memref_slice %arg4[%select_n3A, %add3A_65, %dma_start3A_66] : memref<4x4096x1024xf32, #tpu.memory_space<hbm>> -> memref<1x32x1024xf32, #tpu.memory_space<hbm>>
    %dma_start3A_68 = tpu.memref_squeeze %dma_start3A_67 : memref<1x32x1024xf32, #tpu.memory_space<hbm>> -> memref<32x1024xf32, #tpu.memory_space<hbm>>
    %dma_start3A_69 = arith.constant 0 : i32
    %dma_start3A_70 = tpu.memref_slice %arg4[%select_n3A, %add3A_65, %dma_start3A_69] : memref<4x4096x1024xf32, #tpu.memory_space<hbm>> -> memref<1x32x1024xf32, #tpu.memory_space<hbm>>
    %dma_start3A_71 = tpu.memref_squeeze %dma_start3A_70 : memref<1x32x1024xf32, #tpu.memory_space<hbm>> -> memref<32x1024xf32, #tpu.memory_space<hbm>>
    tpu.enqueue_dma source(%arg7 : memref<32x1024xf32, #tpu.memory_space<vmem>>) target(%dma_start3A_71 : memref<32x1024xf32, #tpu.memory_space<hbm>>) target_semaphore(%arg13 : memref<!tpu.dma_semaphore, #tpu.memory_space<semaphore_mem>>)
    %dma_wait3A_72 = arith.constant 0 : i32
    %dma_wait3A_73 = tpu.memref_slice %arg4[%select_n3A, %add3A_47, %dma_wait3A_72] : memref<4x4096x1024xf32, #tpu.memory_space<hbm>> -> memref<1x56x1024xf32, #tpu.memory_space<hbm>>
    %dma_wait3A_74 = tpu.memref_squeeze %dma_wait3A_73 : memref<1x56x1024xf32, #tpu.memory_space<hbm>> -> memref<56x1024xf32, #tpu.memory_space<hbm>>
    %dma_wait3A_75 = arith.constant 0 : i32
    %dma_wait3A_76 = tpu.memref_slice %arg4[%select_n3A, %add3A_47, %dma_wait3A_75] : memref<4x4096x1024xf32, #tpu.memory_space<hbm>> -> memref<1x56x1024xf32, #tpu.memory_space<hbm>>
    %dma_wait3A_77 = tpu.memref_squeeze %dma_wait3A_76 : memref<1x56x1024xf32, #tpu.memory_space<hbm>> -> memref<56x1024xf32, #tpu.memory_space<hbm>>
    tpu.wait_dma2 semaphore(%arg12 : memref<!tpu.dma_semaphore, #tpu.memory_space<semaphore_mem>>) src(%arg6 : memref<56x1024xf32, #tpu.memory_space<vmem>>) dst(%dma_wait3A_77 : memref<56x1024xf32, #tpu.memory_space<hbm>>)
    %dma_start3A_78 = arith.constant 120 : i32
    %dma_start3A_79 = tpu.memref_slice %arg5[%dma_start3A_78] : memref<512xi32, #tpu.memory_space<vmem>> -> memref<56xi32, #tpu.memory_space<vmem>>
    %dma_start3A_80 = arith.constant 0 : i32
    %dma_start3A_81 = arith.constant 0 : i32
    %dma_start3A_82 = tpu.memref_slice %arg3[%dma_start3A_80, %dma_start3A_81] : memref<100000x1024xf32, #tpu.memory_space<hbm>> -> memref<100000x1024xf32, #tpu.memory_space<hbm>>
    tpu.enqueue_indirect_dma source(%dma_start3A_82 : memref<100000x1024xf32, #tpu.memory_space<hbm>>) target(%arg6 : memref<56x1024xf32, #tpu.memory_space<vmem>>) offsets(%dma_start3A_79 : memref<56xi32, #tpu.memory_space<vmem>>) semaphore(%arg9 : memref<!tpu.dma_semaphore, #tpu.memory_space<semaphore_mem>>)
    %dma_wait3A_83 = arith.constant 88 : i32
    %dma_wait3A_84 = tpu.memref_slice %arg5[%dma_wait3A_83] : memref<512xi32, #tpu.memory_space<vmem>> -> memref<32xi32, #tpu.memory_space<vmem>>
    %dma_wait3A_85 = arith.constant 0 : i32
    %dma_wait3A_86 = arith.constant 0 : i32
    %dma_wait3A_87 = tpu.memref_slice %arg3[%dma_wait3A_85, %dma_wait3A_86] : memref<100000x1024xf32, #tpu.memory_space<hbm>> -> memref<100000x1024xf32, #tpu.memory_space<hbm>>
    tpu.wait_indirect_dma semaphore(%arg11 : memref<!tpu.dma_semaphore, #tpu.memory_space<semaphore_mem>>) src(%dma_wait3A_87 : memref<100000x1024xf32, #tpu.memory_space<hbm>>) dst(%arg8 : memref<32x1024xf32, #tpu.memory_space<vmem>>)
    %add3A_88 = arith.constant 88 : i32
    %add3A_89 = arith.addi %mul3A_32, %add3A_88 : i32
    %dma_start3A_90 = arith.constant 0 : i32
    %dma_start3A_91 = tpu.memref_slice %arg4[%select_n3A, %add3A_89, %dma_start3A_90] : memref<4x4096x1024xf32, #tpu.memory_space<hbm>> -> memref<1x32x1024xf32, #tpu.memory_space<hbm>>
    %dma_start3A_92 = tpu.memref_squeeze %dma_start3A_91 : memref<1x32x1024xf32, #tpu.memory_space<hbm>> -> memref<32x1024xf32, #tpu.memory_space<hbm>>
    %dma_start3A_93 = arith.constant 0 : i32
    %dma_start3A_94 = tpu.memref_slice %arg4[%select_n3A, %add3A_89, %dma_start3A_93] : memref<4x4096x1024xf32, #tpu.memory_space<hbm>> -> memref<1x32x1024xf32, #tpu.memory_space<hbm>>
    %dma_start3A_95 = tpu.memref_squeeze %dma_start3A_94 : memref<1x32x1024xf32, #tpu.memory_space<hbm>> -> memref<32x1024xf32, #tpu.memory_space<hbm>>
    tpu.enqueue_dma source(%arg8 : memref<32x1024xf32, #tpu.memory_space<vmem>>) target(%dma_start3A_95 : memref<32x1024xf32, #tpu.memory_space<hbm>>) target_semaphore(%arg14 : memref<!tpu.dma_semaphore, #tpu.memory_space<semaphore_mem>>)
    %dma_wait3A_96 = arith.constant 0 : i32
    %dma_wait3A_97 = tpu.memref_slice %arg4[%select_n3A, %add3A_65, %dma_wait3A_96] : memref<4x4096x1024xf32, #tpu.memory_space<hbm>> -> memref<1x32x1024xf32, #tpu.memory_space<hbm>>
    %dma_wait3A_98 = tpu.memref_squeeze %dma_wait3A_97 : memref<1x32x1024xf32, #tpu.memory_space<hbm>> -> memref<32x1024xf32, #tpu.memory_space<hbm>>
    %dma_wait3A_99 = arith.constant 0 : i32
    %dma_wait3A_100 = tpu.memref_slice %arg4[%select_n3A, %add3A_65, %dma_wait3A_99] : memref<4x4096x1024xf32, #tpu.memory_space<hbm>> -> memref<1x32x1024xf32, #tpu.memory_space<hbm>>
    %dma_wait3A_101 = tpu.memref_squeeze %dma_wait3A_100 : memref<1x32x1024xf32, #tpu.memory_space<hbm>> -> memref<32x1024xf32, #tpu.memory_space<hbm>>
    tpu.wait_dma2 semaphore(%arg13 : memref<!tpu.dma_semaphore, #tpu.memory_space<semaphore_mem>>) src(%arg7 : memref<32x1024xf32, #tpu.memory_space<vmem>>) dst(%dma_wait3A_101 : memref<32x1024xf32, #tpu.memory_space<hbm>>)
    %dma_start3A_102 = arith.constant 176 : i32
    %dma_start3A_103 = tpu.memref_slice %arg5[%dma_start3A_102] : memref<512xi32, #tpu.memory_space<vmem>> -> memref<32xi32, #tpu.memory_space<vmem>>
    %dma_start3A_104 = arith.constant 0 : i32
    %dma_start3A_105 = arith.constant 0 : i32
    %dma_start3A_106 = tpu.memref_slice %arg3[%dma_start3A_104, %dma_start3A_105] : memref<100000x1024xf32, #tpu.memory_space<hbm>> -> memref<100000x1024xf32, #tpu.memory_space<hbm>>
    tpu.enqueue_indirect_dma source(%dma_start3A_106 : memref<100000x1024xf32, #tpu.memory_space<hbm>>) target(%arg7 : memref<32x1024xf32, #tpu.memory_space<vmem>>) offsets(%dma_start3A_103 : memref<32xi32, #tpu.memory_space<vmem>>) semaphore(%arg10 : memref<!tpu.dma_semaphore, #tpu.memory_space<semaphore_mem>>)
    %dma_wait3A_107 = arith.constant 120 : i32
    %dma_wait3A_108 = tpu.memref_slice %arg5[%dma_wait3A_107] : memref<512xi32, #tpu.memory_space<vmem>> -> memref<56xi32, #tpu.memory_space<vmem>>
    %dma_wait3A_109 = arith.constant 0 : i32
    %dma_wait3A_110 = arith.constant 0 : i32
    %dma_wait3A_111 = tpu.memref_slice %arg3[%dma_wait3A_109, %dma_wait3A_110] : memref<100000x1024xf32, #tpu.memory_space<hbm>> -> memref<100000x1024xf32, #tpu.memory_space<hbm>>
    tpu.wait_indirect_dma semaphore(%arg9 : memref<!tpu.dma_semaphore, #tpu.memory_space<semaphore_mem>>) src(%dma_wait3A_111 : memref<100000x1024xf32, #tpu.memory_space<hbm>>) dst(%arg6 : memref<56x1024xf32, #tpu.memory_space<vmem>>)
    %add3A_112 = arith.constant 120 : i32
    %add3A_113 = arith.addi %mul3A_32, %add3A_112 : i32
    %dma_start3A_114 = arith.constant 0 : i32
    %dma_start3A_115 = tpu.memref_slice %arg4[%select_n3A, %add3A_113, %dma_start3A_114] : memref<4x4096x1024xf32, #tpu.memory_space<hbm>> -> memref<1x56x1024xf32, #tpu.memory_space<hbm>>
    %dma_start3A_116 = tpu.memref_squeeze %dma_start3A_115 : memref<1x56x1024xf32, #tpu.memory_space<hbm>> -> memref<56x1024xf32, #tpu.memory_space<hbm>>
    %dma_start3A_117 = arith.constant 0 : i32
    %dma_start3A_118 = tpu.memref_slice %arg4[%select_n3A, %add3A_113, %dma_start3A_117] : memref<4x4096x1024xf32, #tpu.memory_space<hbm>> -> memref<1x56x1024xf32, #tpu.memory_space<hbm>>
    %dma_start3A_119 = tpu.memref_squeeze %dma_start3A_118 : memref<1x56x1024xf32, #tpu.memory_space<hbm>> -> memref<56x1024xf32, #tpu.memory_space<hbm>>
    tpu.enqueue_dma source(%arg6 : memref<56x1024xf32, #tpu.memory_space<vmem>>) target(%dma_start3A_119 : memref<56x1024xf32, #tpu.memory_space<hbm>>) target_semaphore(%arg12 : memref<!tpu.dma_semaphore, #tpu.memory_space<semaphore_mem>>)
    %dma_wait3A_120 = arith.constant 0 : i32
    %dma_wait3A_121 = tpu.memref_slice %arg4[%select_n3A, %add3A_89, %dma_wait3A_120] : memref<4x4096x1024xf32, #tpu.memory_space<hbm>> -> memref<1x32x1024xf32, #tpu.memory_space<hbm>>
    %dma_wait3A_122 = tpu.memref_squeeze %dma_wait3A_121 : memref<1x32x1024xf32, #tpu.memory_space<hbm>> -> memref<32x1024xf32, #tpu.memory_space<hbm>>
    %dma_wait3A_123 = arith.constant 0 : i32
    %dma_wait3A_124 = tpu.memref_slice %arg4[%select_n3A, %add3A_89, %dma_wait3A_123] : memref<4x4096x1024xf32, #tpu.memory_space<hbm>> -> memref<1x32x1024xf32, #tpu.memory_space<hbm>>
    %dma_wait3A_125 = tpu.memref_squeeze %dma_wait3A_124 : memref<1x32x1024xf32, #tpu.memory_space<hbm>> -> memref<32x1024xf32, #tpu.memory_space<hbm>>
    tpu.wait_dma2 semaphore(%arg14 : memref<!tpu.dma_semaphore, #tpu.memory_space<semaphore_mem>>) src(%arg8 : memref<32x1024xf32, #tpu.memory_space<vmem>>) dst(%dma_wait3A_125 : memref<32x1024xf32, #tpu.memory_space<hbm>>)
    %dma_start3A_126 = arith.constant 208 : i32
    %dma_start3A_127 = tpu.memref_slice %arg5[%dma_start3A_126] : memref<512xi32, #tpu.memory_space<vmem>> -> memref<32xi32, #tpu.memory_space<vmem>>
    %dma_start3A_128 = arith.constant 0 : i32
    %dma_start3A_129 = arith.constant 0 : i32
    %dma_start3A_130 = tpu.memref_slice %arg3[%dma_start3A_128, %dma_start3A_129] : memref<100000x1024xf32, #tpu.memory_space<hbm>> -> memref<100000x1024xf32, #tpu.memory_space<hbm>>
    tpu.enqueue_indirect_dma source(%dma_start3A_130 : memref<100000x1024xf32, #tpu.memory_space<hbm>>) target(%arg8 : memref<32x1024xf32, #tpu.memory_space<vmem>>) offsets(%dma_start3A_127 : memref<32xi32, #tpu.memory_space<vmem>>) semaphore(%arg11 : memref<!tpu.dma_semaphore, #tpu.memory_space<semaphore_mem>>)
    %dma_wait3A_131 = arith.constant 176 : i32
    %dma_wait3A_132 = tpu.memref_slice %arg5[%dma_wait3A_131] : memref<512xi32, #tpu.memory_space<vmem>> -> memref<32xi32, #tpu.memory_space<vmem>>
    %dma_wait3A_133 = arith.constant 0 : i32
    %dma_wait3A_134 = arith.constant 0 : i32
    %dma_wait3A_135 = tpu.memref_slice %arg3[%dma_wait3A_133, %dma_wait3A_134] : memref<100000x1024xf32, #tpu.memory_space<hbm>> -> memref<100000x1024xf32, #tpu.memory_space<hbm>>
    tpu.wait_indirect_dma semaphore(%arg10 : memref<!tpu.dma_semaphore, #tpu.memory_space<semaphore_mem>>) src(%dma_wait3A_135 : memref<100000x1024xf32, #tpu.memory_space<hbm>>) dst(%arg7 : memref<32x1024xf32, #tpu.memory_space<vmem>>)
    %add3A_136 = arith.constant 176 : i32
    %add3A_137 = arith.addi %mul3A_32, %add3A_136 : i32
    %dma_start3A_138 = arith.constant 0 : i32
    %dma_start3A_139 = tpu.memref_slice %arg4[%select_n3A, %add3A_137, %dma_start3A_138] : memref<4x4096x1024xf32, #tpu.memory_space<hbm>> -> memref<1x32x1024xf32, #tpu.memory_space<hbm>>
    %dma_start3A_140 = tpu.memref_squeeze %dma_start3A_139 : memref<1x32x1024xf32, #tpu.memory_space<hbm>> -> memref<32x1024xf32, #tpu.memory_space<hbm>>
    %dma_start3A_141 = arith.constant 0 : i32
    %dma_start3A_142 = tpu.memref_slice %arg4[%select_n3A, %add3A_137, %dma_start3A_141] : memref<4x4096x1024xf32, #tpu.memory_space<hbm>> -> memref<1x32x1024xf32, #tpu.memory_space<hbm>>
    %dma_start3A_143 = tpu.memref_squeeze %dma_start3A_142 : memref<1x32x1024xf32, #tpu.memory_space<hbm>> -> memref<32x1024xf32, #tpu.memory_space<hbm>>
    tpu.enqueue_dma source(%arg7 : memref<32x1024xf32, #tpu.memory_space<vmem>>) target(%dma_start3A_143 : memref<32x1024xf32, #tpu.memory_space<hbm>>) target_semaphore(%arg13 : memref<!tpu.dma_semaphore, #tpu.memory_space<semaphore_mem>>)
    %dma_wait3A_144 = arith.constant 0 : i32
    %dma_wait3A_145 = tpu.memref_slice %arg4[%select_n3A, %add3A_113, %dma_wait3A_144] : memref<4x4096x1024xf32, #tpu.memory_space<hbm>> -> memref<1x56x1024xf32, #tpu.memory_space<hbm>>
    %dma_wait3A_146 = tpu.memref_squeeze %dma_wait3A_145 : memref<1x56x1024xf32, #tpu.memory_space<hbm>> -> memref<56x1024xf32, #tpu.memory_space<hbm>>
    %dma_wait3A_147 = arith.constant 0 : i32
    %dma_wait3A_148 = tpu.memref_slice %arg4[%select_n3A, %add3A_113, %dma_wait3A_147] : memref<4x4096x1024xf32, #tpu.memory_space<hbm>> -> memref<1x56x1024xf32, #tpu.memory_space<hbm>>
    %dma_wait3A_149 = tpu.memref_squeeze %dma_wait3A_148 : memref<1x56x1024xf32, #tpu.memory_space<hbm>> -> memref<56x1024xf32, #tpu.memory_space<hbm>>
    tpu.wait_dma2 semaphore(%arg12 : memref<!tpu.dma_semaphore, #tpu.memory_space<semaphore_mem>>) src(%arg6 : memref<56x1024xf32, #tpu.memory_space<vmem>>) dst(%dma_wait3A_149 : memref<56x1024xf32, #tpu.memory_space<hbm>>)
    %dma_start3A_150 = arith.constant 240 : i32
    %dma_start3A_151 = tpu.memref_slice %arg5[%dma_start3A_150] : memref<512xi32, #tpu.memory_space<vmem>> -> memref<56xi32, #tpu.memory_space<vmem>>
    %dma_start3A_152 = arith.constant 0 : i32
    %dma_start3A_153 = arith.constant 0 : i32
    %dma_start3A_154 = tpu.memref_slice %arg3[%dma_start3A_152, %dma_start3A_153] : memref<100000x1024xf32, #tpu.memory_space<hbm>> -> memref<100000x1024xf32, #tpu.memory_space<hbm>>
    tpu.enqueue_indirect_dma source(%dma_start3A_154 : memref<100000x1024xf32, #tpu.memory_space<hbm>>) target(%arg6 : memref<56x1024xf32, #tpu.memory_space<vmem>>) offsets(%dma_start3A_151 : memref<56xi32, #tpu.memory_space<vmem>>) semaphore(%arg9 : memref<!tpu.dma_semaphore, #tpu.memory_space<semaphore_mem>>)
    %dma_wait3A_155 = arith.constant 208 : i32
    %dma_wait3A_156 = tpu.memref_slice %arg5[%dma_wait3A_155] : memref<512xi32, #tpu.memory_space<vmem>> -> memref<32xi32, #tpu.memory_space<vmem>>
    %dma_wait3A_157 = arith.constant 0 : i32
    %dma_wait3A_158 = arith.constant 0 : i32
    %dma_wait3A_159 = tpu.memref_slice %arg3[%dma_wait3A_157, %dma_wait3A_158] : memref<100000x1024xf32, #tpu.memory_space<hbm>> -> memref<100000x1024xf32, #tpu.memory_space<hbm>>
    tpu.wait_indirect_dma semaphore(%arg11 : memref<!tpu.dma_semaphore, #tpu.memory_space<semaphore_mem>>) src(%dma_wait3A_159 : memref<100000x1024xf32, #tpu.memory_space<hbm>>) dst(%arg8 : memref<32x1024xf32, #tpu.memory_space<vmem>>)
    %add3A_160 = arith.constant 208 : i32
    %add3A_161 = arith.addi %mul3A_32, %add3A_160 : i32
    %dma_start3A_162 = arith.constant 0 : i32
    %dma_start3A_163 = tpu.memref_slice %arg4[%select_n3A, %add3A_161, %dma_start3A_162] : memref<4x4096x1024xf32, #tpu.memory_space<hbm>> -> memref<1x32x1024xf32, #tpu.memory_space<hbm>>
    %dma_start3A_164 = tpu.memref_squeeze %dma_start3A_163 : memref<1x32x1024xf32, #tpu.memory_space<hbm>> -> memref<32x1024xf32, #tpu.memory_space<hbm>>
    %dma_start3A_165 = arith.constant 0 : i32
    %dma_start3A_166 = tpu.memref_slice %arg4[%select_n3A, %add3A_161, %dma_start3A_165] : memref<4x4096x1024xf32, #tpu.memory_space<hbm>> -> memref<1x32x1024xf32, #tpu.memory_space<hbm>>
    %dma_start3A_167 = tpu.memref_squeeze %dma_start3A_166 : memref<1x32x1024xf32, #tpu.memory_space<hbm>> -> memref<32x1024xf32, #tpu.memory_space<hbm>>
    tpu.enqueue_dma source(%arg8 : memref<32x1024xf32, #tpu.memory_space<vmem>>) target(%dma_start3A_167 : memref<32x1024xf32, #tpu.memory_space<hbm>>) target_semaphore(%arg14 : memref<!tpu.dma_semaphore, #tpu.memory_space<semaphore_mem>>)
    %dma_wait3A_168 = arith.constant 0 : i32
    %dma_wait3A_169 = tpu.memref_slice %arg4[%select_n3A, %add3A_137, %dma_wait3A_168] : memref<4x4096x1024xf32, #tpu.memory_space<hbm>> -> memref<1x32x1024xf32, #tpu.memory_space<hbm>>
    %dma_wait3A_170 = tpu.memref_squeeze %dma_wait3A_169 : memref<1x32x1024xf32, #tpu.memory_space<hbm>> -> memref<32x1024xf32, #tpu.memory_space<hbm>>
    %dma_wait3A_171 = arith.constant 0 : i32
    %dma_wait3A_172 = tpu.memref_slice %arg4[%select_n3A, %add3A_137, %dma_wait3A_171] : memref<4x4096x1024xf32, #tpu.memory_space<hbm>> -> memref<1x32x1024xf32, #tpu.memory_space<hbm>>
    %dma_wait3A_173 = tpu.memref_squeeze %dma_wait3A_172 : memref<1x32x1024xf32, #tpu.memory_space<hbm>> -> memref<32x1024xf32, #tpu.memory_space<hbm>>
    tpu.wait_dma2 semaphore(%arg13 : memref<!tpu.dma_semaphore, #tpu.memory_space<semaphore_mem>>) src(%arg7 : memref<32x1024xf32, #tpu.memory_space<vmem>>) dst(%dma_wait3A_173 : memref<32x1024xf32, #tpu.memory_space<hbm>>)
    %dma_start3A_174 = arith.constant 296 : i32
    %dma_start3A_175 = tpu.memref_slice %arg5[%dma_start3A_174] : memref<512xi32, #tpu.memory_space<vmem>> -> memref<32xi32, #tpu.memory_space<vmem>>
    %dma_start3A_176 = arith.constant 0 : i32
    %dma_start3A_177 = arith.constant 0 : i32
    %dma_start3A_178 = tpu.memref_slice %arg3[%dma_start3A_176, %dma_start3A_177] : memref<100000x1024xf32, #tpu.memory_space<hbm>> -> memref<100000x1024xf32, #tpu.memory_space<hbm>>
    tpu.enqueue_indirect_dma source(%dma_start3A_178 : memref<100000x1024xf32, #tpu.memory_space<hbm>>) target(%arg7 : memref<32x1024xf32, #tpu.memory_space<vmem>>) offsets(%dma_start3A_175 : memref<32xi32, #tpu.memory_space<vmem>>) semaphore(%arg10 : memref<!tpu.dma_semaphore, #tpu.memory_space<semaphore_mem>>)
    %dma_wait3A_179 = arith.constant 240 : i32
    %dma_wait3A_180 = tpu.memref_slice %arg5[%dma_wait3A_179] : memref<512xi32, #tpu.memory_space<vmem>> -> memref<56xi32, #tpu.memory_space<vmem>>
    %dma_wait3A_181 = arith.constant 0 : i32
    %dma_wait3A_182 = arith.constant 0 : i32
    %dma_wait3A_183 = tpu.memref_slice %arg3[%dma_wait3A_181, %dma_wait3A_182] : memref<100000x1024xf32, #tpu.memory_space<hbm>> -> memref<100000x1024xf32, #tpu.memory_space<hbm>>
    tpu.wait_indirect_dma semaphore(%arg9 : memref<!tpu.dma_semaphore, #tpu.memory_space<semaphore_mem>>) src(%dma_wait3A_183 : memref<100000x1024xf32, #tpu.memory_space<hbm>>) dst(%arg6 : memref<56x1024xf32, #tpu.memory_space<vmem>>)
    %add3A_184 = arith.constant 240 : i32
    %add3A_185 = arith.addi %mul3A_32, %add3A_184 : i32
    %dma_start3A_186 = arith.constant 0 : i32
    %dma_start3A_187 = tpu.memref_slice %arg4[%select_n3A, %add3A_185, %dma_start3A_186] : memref<4x4096x1024xf32, #tpu.memory_space<hbm>> -> memref<1x56x1024xf32, #tpu.memory_space<hbm>>
    %dma_start3A_188 = tpu.memref_squeeze %dma_start3A_187 : memref<1x56x1024xf32, #tpu.memory_space<hbm>> -> memref<56x1024xf32, #tpu.memory_space<hbm>>
    %dma_start3A_189 = arith.constant 0 : i32
    %dma_start3A_190 = tpu.memref_slice %arg4[%select_n3A, %add3A_185, %dma_start3A_189] : memref<4x4096x1024xf32, #tpu.memory_space<hbm>> -> memref<1x56x1024xf32, #tpu.memory_space<hbm>>
    %dma_start3A_191 = tpu.memref_squeeze %dma_start3A_190 : memref<1x56x1024xf32, #tpu.memory_space<hbm>> -> memref<56x1024xf32, #tpu.memory_space<hbm>>
    tpu.enqueue_dma source(%arg6 : memref<56x1024xf32, #tpu.memory_space<vmem>>) target(%dma_start3A_191 : memref<56x1024xf32, #tpu.memory_space<hbm>>) target_semaphore(%arg12 : memref<!tpu.dma_semaphore, #tpu.memory_space<semaphore_mem>>)
    %dma_wait3A_192 = arith.constant 0 : i32
    %dma_wait3A_193 = tpu.memref_slice %arg4[%select_n3A, %add3A_161, %dma_wait3A_192] : memref<4x4096x1024xf32, #tpu.memory_space<hbm>> -> memref<1x32x1024xf32, #tpu.memory_space<hbm>>
    %dma_wait3A_194 = tpu.memref_squeeze %dma_wait3A_193 : memref<1x32x1024xf32, #tpu.memory_space<hbm>> -> memref<32x1024xf32, #tpu.memory_space<hbm>>
    %dma_wait3A_195 = arith.constant 0 : i32
    %dma_wait3A_196 = tpu.memref_slice %arg4[%select_n3A, %add3A_161, %dma_wait3A_195] : memref<4x4096x1024xf32, #tpu.memory_space<hbm>> -> memref<1x32x1024xf32, #tpu.memory_space<hbm>>
    %dma_wait3A_197 = tpu.memref_squeeze %dma_wait3A_196 : memref<1x32x1024xf32, #tpu.memory_space<hbm>> -> memref<32x1024xf32, #tpu.memory_space<hbm>>
    tpu.wait_dma2 semaphore(%arg14 : memref<!tpu.dma_semaphore, #tpu.memory_space<semaphore_mem>>) src(%arg8 : memref<32x1024xf32, #tpu.memory_space<vmem>>) dst(%dma_wait3A_197 : memref<32x1024xf32, #tpu.memory_space<hbm>>)
    %dma_start3A_198 = arith.constant 328 : i32
    %dma_start3A_199 = tpu.memref_slice %arg5[%dma_start3A_198] : memref<512xi32, #tpu.memory_space<vmem>> -> memref<32xi32, #tpu.memory_space<vmem>>
    %dma_start3A_200 = arith.constant 0 : i32
    %dma_start3A_201 = arith.constant 0 : i32
    %dma_start3A_202 = tpu.memref_slice %arg3[%dma_start3A_200, %dma_start3A_201] : memref<100000x1024xf32, #tpu.memory_space<hbm>> -> memref<100000x1024xf32, #tpu.memory_space<hbm>>
    tpu.enqueue_indirect_dma source(%dma_start3A_202 : memref<100000x1024xf32, #tpu.memory_space<hbm>>) target(%arg8 : memref<32x1024xf32, #tpu.memory_space<vmem>>) offsets(%dma_start3A_199 : memref<32xi32, #tpu.memory_space<vmem>>) semaphore(%arg11 : memref<!tpu.dma_semaphore, #tpu.memory_space<semaphore_mem>>)
    %dma_wait3A_203 = arith.constant 296 : i32
    %dma_wait3A_204 = tpu.memref_slice %arg5[%dma_wait3A_203] : memref<512xi32, #tpu.memory_space<vmem>> -> memref<32xi32, #tpu.memory_space<vmem>>
    %dma_wait3A_205 = arith.constant 0 : i32
    %dma_wait3A_206 = arith.constant 0 : i32
    %dma_wait3A_207 = tpu.memref_slice %arg3[%dma_wait3A_205, %dma_wait3A_206] : memref<100000x1024xf32, #tpu.memory_space<hbm>> -> memref<100000x1024xf32, #tpu.memory_space<hbm>>
    tpu.wait_indirect_dma semaphore(%arg10 : memref<!tpu.dma_semaphore, #tpu.memory_space<semaphore_mem>>) src(%dma_wait3A_207 : memref<100000x1024xf32, #tpu.memory_space<hbm>>) dst(%arg7 : memref<32x1024xf32, #tpu.memory_space<vmem>>)
    %add3A_208 = arith.constant 296 : i32
    %add3A_209 = arith.addi %mul3A_32, %add3A_208 : i32
    %dma_start3A_210 = arith.constant 0 : i32
    %dma_start3A_211 = tpu.memref_slice %arg4[%select_n3A, %add3A_209, %dma_start3A_210] : memref<4x4096x1024xf32, #tpu.memory_space<hbm>> -> memref<1x32x1024xf32, #tpu.memory_space<hbm>>
    %dma_start3A_212 = tpu.memref_squeeze %dma_start3A_211 : memref<1x32x1024xf32, #tpu.memory_space<hbm>> -> memref<32x1024xf32, #tpu.memory_space<hbm>>
    %dma_start3A_213 = arith.constant 0 : i32
    %dma_start3A_214 = tpu.memref_slice %arg4[%select_n3A, %add3A_209, %dma_start3A_213] : memref<4x4096x1024xf32, #tpu.memory_space<hbm>> -> memref<1x32x1024xf32, #tpu.memory_space<hbm>>
    %dma_start3A_215 = tpu.memref_squeeze %dma_start3A_214 : memref<1x32x1024xf32, #tpu.memory_space<hbm>> -> memref<32x1024xf32, #tpu.memory_space<hbm>>
    tpu.enqueue_dma source(%arg7 : memref<32x1024xf32, #tpu.memory_space<vmem>>) target(%dma_start3A_215 : memref<32x1024xf32, #tpu.memory_space<hbm>>) target_semaphore(%arg13 : memref<!tpu.dma_semaphore, #tpu.memory_space<semaphore_mem>>)
    %dma_wait3A_216 = arith.constant 0 : i32
    %dma_wait3A_217 = tpu.memref_slice %arg4[%select_n3A, %add3A_185, %dma_wait3A_216] : memref<4x4096x1024xf32, #tpu.memory_space<hbm>> -> memref<1x56x1024xf32, #tpu.memory_space<hbm>>
    %dma_wait3A_218 = tpu.memref_squeeze %dma_wait3A_217 : memref<1x56x1024xf32, #tpu.memory_space<hbm>> -> memref<56x1024xf32, #tpu.memory_space<hbm>>
    %dma_wait3A_219 = arith.constant 0 : i32
    %dma_wait3A_220 = tpu.memref_slice %arg4[%select_n3A, %add3A_185, %dma_wait3A_219] : memref<4x4096x1024xf32, #tpu.memory_space<hbm>> -> memref<1x56x1024xf32, #tpu.memory_space<hbm>>
    %dma_wait3A_221 = tpu.memref_squeeze %dma_wait3A_220 : memref<1x56x1024xf32, #tpu.memory_space<hbm>> -> memref<56x1024xf32, #tpu.memory_space<hbm>>
    tpu.wait_dma2 semaphore(%arg12 : memref<!tpu.dma_semaphore, #tpu.memory_space<semaphore_mem>>) src(%arg6 : memref<56x1024xf32, #tpu.memory_space<vmem>>) dst(%dma_wait3A_221 : memref<56x1024xf32, #tpu.memory_space<hbm>>)
    %dma_start3A_222 = arith.constant 360 : i32
    %dma_start3A_223 = tpu.memref_slice %arg5[%dma_start3A_222] : memref<512xi32, #tpu.memory_space<vmem>> -> memref<56xi32, #tpu.memory_space<vmem>>
    %dma_start3A_224 = arith.constant 0 : i32
    %dma_start3A_225 = arith.constant 0 : i32
    %dma_start3A_226 = tpu.memref_slice %arg3[%dma_start3A_224, %dma_start3A_225] : memref<100000x1024xf32, #tpu.memory_space<hbm>> -> memref<100000x1024xf32, #tpu.memory_space<hbm>>
    tpu.enqueue_indirect_dma source(%dma_start3A_226 : memref<100000x1024xf32, #tpu.memory_space<hbm>>) target(%arg6 : memref<56x1024xf32, #tpu.memory_space<vmem>>) offsets(%dma_start3A_223 : memref<56xi32, #tpu.memory_space<vmem>>) semaphore(%arg9 : memref<!tpu.dma_semaphore, #tpu.memory_space<semaphore_mem>>)
    %dma_wait3A_227 = arith.constant 328 : i32
    %dma_wait3A_228 = tpu.memref_slice %arg5[%dma_wait3A_227] : memref<512xi32, #tpu.memory_space<vmem>> -> memref<32xi32, #tpu.memory_space<vmem>>
    %dma_wait3A_229 = arith.constant 0 : i32
    %dma_wait3A_230 = arith.constant 0 : i32
    %dma_wait3A_231 = tpu.memref_slice %arg3[%dma_wait3A_229, %dma_wait3A_230] : memref<100000x1024xf32, #tpu.memory_space<hbm>> -> memref<100000x1024xf32, #tpu.memory_space<hbm>>
    tpu.wait_indirect_dma semaphore(%arg11 : memref<!tpu.dma_semaphore, #tpu.memory_space<semaphore_mem>>) src(%dma_wait3A_231 : memref<100000x1024xf32, #tpu.memory_space<hbm>>) dst(%arg8 : memref<32x1024xf32, #tpu.memory_space<vmem>>)
    %add3A_232 = arith.constant 328 : i32
    %add3A_233 = arith.addi %mul3A_32, %add3A_232 : i32
    %dma_start3A_234 = arith.constant 0 : i32
    %dma_start3A_235 = tpu.memref_slice %arg4[%select_n3A, %add3A_233, %dma_start3A_234] : memref<4x4096x1024xf32, #tpu.memory_space<hbm>> -> memref<1x32x1024xf32, #tpu.memory_space<hbm>>
    %dma_start3A_236 = tpu.memref_squeeze %dma_start3A_235 : memref<1x32x1024xf32, #tpu.memory_space<hbm>> -> memref<32x1024xf32, #tpu.memory_space<hbm>>
    %dma_start3A_237 = arith.constant 0 : i32
    %dma_start3A_238 = tpu.memref_slice %arg4[%select_n3A, %add3A_233, %dma_start3A_237] : memref<4x4096x1024xf32, #tpu.memory_space<hbm>> -> memref<1x32x1024xf32, #tpu.memory_space<hbm>>
    %dma_start3A_239 = tpu.memref_squeeze %dma_start3A_238 : memref<1x32x1024xf32, #tpu.memory_space<hbm>> -> memref<32x1024xf32, #tpu.memory_space<hbm>>
    tpu.enqueue_dma source(%arg8 : memref<32x1024xf32, #tpu.memory_space<vmem>>) target(%dma_start3A_239 : memref<32x1024xf32, #tpu.memory_space<hbm>>) target_semaphore(%arg14 : memref<!tpu.dma_semaphore, #tpu.memory_space<semaphore_mem>>)
    %dma_wait3A_240 = arith.constant 0 : i32
    %dma_wait3A_241 = tpu.memref_slice %arg4[%select_n3A, %add3A_209, %dma_wait3A_240] : memref<4x4096x1024xf32, #tpu.memory_space<hbm>> -> memref<1x32x1024xf32, #tpu.memory_space<hbm>>
    %dma_wait3A_242 = tpu.memref_squeeze %dma_wait3A_241 : memref<1x32x1024xf32, #tpu.memory_space<hbm>> -> memref<32x1024xf32, #tpu.memory_space<hbm>>
    %dma_wait3A_243 = arith.constant 0 : i32
    %dma_wait3A_244 = tpu.memref_slice %arg4[%select_n3A, %add3A_209, %dma_wait3A_243] : memref<4x4096x1024xf32, #tpu.memory_space<hbm>> -> memref<1x32x1024xf32, #tpu.memory_space<hbm>>
    %dma_wait3A_245 = tpu.memref_squeeze %dma_wait3A_244 : memref<1x32x1024xf32, #tpu.memory_space<hbm>> -> memref<32x1024xf32, #tpu.memory_space<hbm>>
    tpu.wait_dma2 semaphore(%arg13 : memref<!tpu.dma_semaphore, #tpu.memory_space<semaphore_mem>>) src(%arg7 : memref<32x1024xf32, #tpu.memory_space<vmem>>) dst(%dma_wait3A_245 : memref<32x1024xf32, #tpu.memory_space<hbm>>)
    %dma_start3A_246 = arith.constant 416 : i32
    %dma_start3A_247 = tpu.memref_slice %arg5[%dma_start3A_246] : memref<512xi32, #tpu.memory_space<vmem>> -> memref<32xi32, #tpu.memory_space<vmem>>
    %dma_start3A_248 = arith.constant 0 : i32
    %dma_start3A_249 = arith.constant 0 : i32
    %dma_start3A_250 = tpu.memref_slice %arg3[%dma_start3A_248, %dma_start3A_249] : memref<100000x1024xf32, #tpu.memory_space<hbm>> -> memref<100000x1024xf32, #tpu.memory_space<hbm>>
    tpu.enqueue_indirect_dma source(%dma_start3A_250 : memref<100000x1024xf32, #tpu.memory_space<hbm>>) target(%arg7 : memref<32x1024xf32, #tpu.memory_space<vmem>>) offsets(%dma_start3A_247 : memref<32xi32, #tpu.memory_space<vmem>>) semaphore(%arg10 : memref<!tpu.dma_semaphore, #tpu.memory_space<semaphore_mem>>)
    %dma_wait3A_251 = arith.constant 360 : i32
    %dma_wait3A_252 = tpu.memref_slice %arg5[%dma_wait3A_251] : memref<512xi32, #tpu.memory_space<vmem>> -> memref<56xi32, #tpu.memory_space<vmem>>
    %dma_wait3A_253 = arith.constant 0 : i32
    %dma_wait3A_254 = arith.constant 0 : i32
    %dma_wait3A_255 = tpu.memref_slice %arg3[%dma_wait3A_253, %dma_wait3A_254] : memref<100000x1024xf32, #tpu.memory_space<hbm>> -> memref<100000x1024xf32, #tpu.memory_space<hbm>>
    tpu.wait_indirect_dma semaphore(%arg9 : memref<!tpu.dma_semaphore, #tpu.memory_space<semaphore_mem>>) src(%dma_wait3A_255 : memref<100000x1024xf32, #tpu.memory_space<hbm>>) dst(%arg6 : memref<56x1024xf32, #tpu.memory_space<vmem>>)
    %add3A_256 = arith.constant 360 : i32
    %add3A_257 = arith.addi %mul3A_32, %add3A_256 : i32
    %dma_start3A_258 = arith.constant 0 : i32
    %dma_start3A_259 = tpu.memref_slice %arg4[%select_n3A, %add3A_257, %dma_start3A_258] : memref<4x4096x1024xf32, #tpu.memory_space<hbm>> -> memref<1x56x1024xf32, #tpu.memory_space<hbm>>
    %dma_start3A_260 = tpu.memref_squeeze %dma_start3A_259 : memref<1x56x1024xf32, #tpu.memory_space<hbm>> -> memref<56x1024xf32, #tpu.memory_space<hbm>>
    %dma_start3A_261 = arith.constant 0 : i32
    %dma_start3A_262 = tpu.memref_slice %arg4[%select_n3A, %add3A_257, %dma_start3A_261] : memref<4x4096x1024xf32, #tpu.memory_space<hbm>> -> memref<1x56x1024xf32, #tpu.memory_space<hbm>>
    %dma_start3A_263 = tpu.memref_squeeze %dma_start3A_262 : memref<1x56x1024xf32, #tpu.memory_space<hbm>> -> memref<56x1024xf32, #tpu.memory_space<hbm>>
    tpu.enqueue_dma source(%arg6 : memref<56x1024xf32, #tpu.memory_space<vmem>>) target(%dma_start3A_263 : memref<56x1024xf32, #tpu.memory_space<hbm>>) target_semaphore(%arg12 : memref<!tpu.dma_semaphore, #tpu.memory_space<semaphore_mem>>)
    %dma_wait3A_264 = arith.constant 0 : i32
    %dma_wait3A_265 = tpu.memref_slice %arg4[%select_n3A, %add3A_233, %dma_wait3A_264] : memref<4x4096x1024xf32, #tpu.memory_space<hbm>> -> memref<1x32x1024xf32, #tpu.memory_space<hbm>>
    %dma_wait3A_266 = tpu.memref_squeeze %dma_wait3A_265 : memref<1x32x1024xf32, #tpu.memory_space<hbm>> -> memref<32x1024xf32, #tpu.memory_space<hbm>>
    %dma_wait3A_267 = arith.constant 0 : i32
    %dma_wait3A_268 = tpu.memref_slice %arg4[%select_n3A, %add3A_233, %dma_wait3A_267] : memref<4x4096x1024xf32, #tpu.memory_space<hbm>> -> memref<1x32x1024xf32, #tpu.memory_space<hbm>>
    %dma_wait3A_269 = tpu.memref_squeeze %dma_wait3A_268 : memref<1x32x1024xf32, #tpu.memory_space<hbm>> -> memref<32x1024xf32, #tpu.memory_space<hbm>>
    tpu.wait_dma2 semaphore(%arg14 : memref<!tpu.dma_semaphore, #tpu.memory_space<semaphore_mem>>) src(%arg8 : memref<32x1024xf32, #tpu.memory_space<vmem>>) dst(%dma_wait3A_269 : memref<32x1024xf32, #tpu.memory_space<hbm>>)
    %dma_start3A_270 = arith.constant 448 : i32
    %dma_start3A_271 = tpu.memref_slice %arg5[%dma_start3A_270] : memref<512xi32, #tpu.memory_space<vmem>> -> memref<32xi32, #tpu.memory_space<vmem>>
    %dma_start3A_272 = arith.constant 0 : i32
    %dma_start3A_273 = arith.constant 0 : i32
    %dma_start3A_274 = tpu.memref_slice %arg3[%dma_start3A_272, %dma_start3A_273] : memref<100000x1024xf32, #tpu.memory_space<hbm>> -> memref<100000x1024xf32, #tpu.memory_space<hbm>>
    tpu.enqueue_indirect_dma source(%dma_start3A_274 : memref<100000x1024xf32, #tpu.memory_space<hbm>>) target(%arg8 : memref<32x1024xf32, #tpu.memory_space<vmem>>) offsets(%dma_start3A_271 : memref<32xi32, #tpu.memory_space<vmem>>) semaphore(%arg11 : memref<!tpu.dma_semaphore, #tpu.memory_space<semaphore_mem>>)
    %dma_wait3A_275 = arith.constant 416 : i32
    %dma_wait3A_276 = tpu.memref_slice %arg5[%dma_wait3A_275] : memref<512xi32, #tpu.memory_space<vmem>> -> memref<32xi32, #tpu.memory_space<vmem>>
    %dma_wait3A_277 = arith.constant 0 : i32
    %dma_wait3A_278 = arith.constant 0 : i32
    %dma_wait3A_279 = tpu.memref_slice %arg3[%dma_wait3A_277, %dma_wait3A_278] : memref<100000x1024xf32, #tpu.memory_space<hbm>> -> memref<100000x1024xf32, #tpu.memory_space<hbm>>
    tpu.wait_indirect_dma semaphore(%arg10 : memref<!tpu.dma_semaphore, #tpu.memory_space<semaphore_mem>>) src(%dma_wait3A_279 : memref<100000x1024xf32, #tpu.memory_space<hbm>>) dst(%arg7 : memref<32x1024xf32, #tpu.memory_space<vmem>>)
    %add3A_280 = arith.constant 416 : i32
    %add3A_281 = arith.addi %mul3A_32, %add3A_280 : i32
    %dma_start3A_282 = arith.constant 0 : i32
    %dma_start3A_283 = tpu.memref_slice %arg4[%select_n3A, %add3A_281, %dma_start3A_282] : memref<4x4096x1024xf32, #tpu.memory_space<hbm>> -> memref<1x32x1024xf32, #tpu.memory_space<hbm>>
    %dma_start3A_284 = tpu.memref_squeeze %dma_start3A_283 : memref<1x32x1024xf32, #tpu.memory_space<hbm>> -> memref<32x1024xf32, #tpu.memory_space<hbm>>
    %dma_start3A_285 = arith.constant 0 : i32
    %dma_start3A_286 = tpu.memref_slice %arg4[%select_n3A, %add3A_281, %dma_start3A_285] : memref<4x4096x1024xf32, #tpu.memory_space<hbm>> -> memref<1x32x1024xf32, #tpu.memory_space<hbm>>
    %dma_start3A_287 = tpu.memref_squeeze %dma_start3A_286 : memref<1x32x1024xf32, #tpu.memory_space<hbm>> -> memref<32x1024xf32, #tpu.memory_space<hbm>>
    tpu.enqueue_dma source(%arg7 : memref<32x1024xf32, #tpu.memory_space<vmem>>) target(%dma_start3A_287 : memref<32x1024xf32, #tpu.memory_space<hbm>>) target_semaphore(%arg13 : memref<!tpu.dma_semaphore, #tpu.memory_space<semaphore_mem>>)
    %dma_wait3A_288 = arith.constant 0 : i32
    %dma_wait3A_289 = tpu.memref_slice %arg4[%select_n3A, %add3A_257, %dma_wait3A_288] : memref<4x4096x1024xf32, #tpu.memory_space<hbm>> -> memref<1x56x1024xf32, #tpu.memory_space<hbm>>
    %dma_wait3A_290 = tpu.memref_squeeze %dma_wait3A_289 : memref<1x56x1024xf32, #tpu.memory_space<hbm>> -> memref<56x1024xf32, #tpu.memory_space<hbm>>
    %dma_wait3A_291 = arith.constant 0 : i32
    %dma_wait3A_292 = tpu.memref_slice %arg4[%select_n3A, %add3A_257, %dma_wait3A_291] : memref<4x4096x1024xf32, #tpu.memory_space<hbm>> -> memref<1x56x1024xf32, #tpu.memory_space<hbm>>
    %dma_wait3A_293 = tpu.memref_squeeze %dma_wait3A_292 : memref<1x56x1024xf32, #tpu.memory_space<hbm>> -> memref<56x1024xf32, #tpu.memory_space<hbm>>
    tpu.wait_dma2 semaphore(%arg12 : memref<!tpu.dma_semaphore, #tpu.memory_space<semaphore_mem>>) src(%arg6 : memref<56x1024xf32, #tpu.memory_space<vmem>>) dst(%dma_wait3A_293 : memref<56x1024xf32, #tpu.memory_space<hbm>>)
    %dma_start3A_294 = arith.constant 0 : i32
    %dma_start3A_295 = arith.constant 0 : i32
    %dma_start3A_296 = tpu.memref_slice %arg6[%dma_start3A_294, %dma_start3A_295] : memref<56x1024xf32, #tpu.memory_space<vmem>> -> memref<32x1024xf32, #tpu.memory_space<vmem>>
    %dma_start3A_297 = arith.constant 480 : i32
    %dma_start3A_298 = tpu.memref_slice %arg5[%dma_start3A_297] : memref<512xi32, #tpu.memory_space<vmem>> -> memref<32xi32, #tpu.memory_space<vmem>>
    %dma_start3A_299 = arith.constant 0 : i32
    %dma_start3A_300 = arith.constant 0 : i32
    %dma_start3A_301 = tpu.memref_slice %arg3[%dma_start3A_299, %dma_start3A_300] : memref<100000x1024xf32, #tpu.memory_space<hbm>> -> memref<100000x1024xf32, #tpu.memory_space<hbm>>
    tpu.enqueue_indirect_dma source(%dma_start3A_301 : memref<100000x1024xf32, #tpu.memory_space<hbm>>) target(%dma_start3A_296 : memref<32x1024xf32, #tpu.memory_space<vmem>>) offsets(%dma_start3A_298 : memref<32xi32, #tpu.memory_space<vmem>>) semaphore(%arg9 : memref<!tpu.dma_semaphore, #tpu.memory_space<semaphore_mem>>)
    %dma_wait3A_302 = arith.constant 448 : i32
    %dma_wait3A_303 = tpu.memref_slice %arg5[%dma_wait3A_302] : memref<512xi32, #tpu.memory_space<vmem>> -> memref<32xi32, #tpu.memory_space<vmem>>
    %dma_wait3A_304 = arith.constant 0 : i32
    %dma_wait3A_305 = arith.constant 0 : i32
    %dma_wait3A_306 = tpu.memref_slice %arg3[%dma_wait3A_304, %dma_wait3A_305] : memref<100000x1024xf32, #tpu.memory_space<hbm>> -> memref<100000x1024xf32, #tpu.memory_space<hbm>>
    tpu.wait_indirect_dma semaphore(%arg11 : memref<!tpu.dma_semaphore, #tpu.memory_space<semaphore_mem>>) src(%dma_wait3A_306 : memref<100000x1024xf32, #tpu.memory_space<hbm>>) dst(%arg8 : memref<32x1024xf32, #tpu.memory_space<vmem>>)
    %add3A_307 = arith.constant 448 : i32
    %add3A_308 = arith.addi %mul3A_32, %add3A_307 : i32
    %dma_start3A_309 = arith.constant 0 : i32
    %dma_start3A_310 = tpu.memref_slice %arg4[%select_n3A, %add3A_308, %dma_start3A_309] : memref<4x4096x1024xf32, #tpu.memory_space<hbm>> -> memref<1x32x1024xf32, #tpu.memory_space<hbm>>
    %dma_start3A_311 = tpu.memref_squeeze %dma_start3A_310 : memref<1x32x1024xf32, #tpu.memory_space<hbm>> -> memref<32x1024xf32, #tpu.memory_space<hbm>>
    %dma_start3A_312 = arith.constant 0 : i32
    %dma_start3A_313 = tpu.memref_slice %arg4[%select_n3A, %add3A_308, %dma_start3A_312] : memref<4x4096x1024xf32, #tpu.memory_space<hbm>> -> memref<1x32x1024xf32, #tpu.memory_space<hbm>>
    %dma_start3A_314 = tpu.memref_squeeze %dma_start3A_313 : memref<1x32x1024xf32, #tpu.memory_space<hbm>> -> memref<32x1024xf32, #tpu.memory_space<hbm>>
    tpu.enqueue_dma source(%arg8 : memref<32x1024xf32, #tpu.memory_space<vmem>>) target(%dma_start3A_314 : memref<32x1024xf32, #tpu.memory_space<hbm>>) target_semaphore(%arg14 : memref<!tpu.dma_semaphore, #tpu.memory_space<semaphore_mem>>)
    %dma_wait3A_315 = arith.constant 0 : i32
    %dma_wait3A_316 = arith.constant 0 : i32
    %dma_wait3A_317 = tpu.memref_slice %arg6[%dma_wait3A_315, %dma_wait3A_316] : memref<56x1024xf32, #tpu.memory_space<vmem>> -> memref<32x1024xf32, #tpu.memory_space<vmem>>
    %dma_wait3A_318 = arith.constant 480 : i32
    %dma_wait3A_319 = tpu.memref_slice %arg5[%dma_wait3A_318] : memref<512xi32, #tpu.memory_space<vmem>> -> memref<32xi32, #tpu.memory_space<vmem>>
    %dma_wait3A_320 = arith.constant 0 : i32
    %dma_wait3A_321 = arith.constant 0 : i32
    %dma_wait3A_322 = tpu.memref_slice %arg3[%dma_wait3A_320, %dma_wait3A_321] : memref<100000x1024xf32, #tpu.memory_space<hbm>> -> memref<100000x1024xf32, #tpu.memory_space<hbm>>
    tpu.wait_indirect_dma semaphore(%arg9 : memref<!tpu.dma_semaphore, #tpu.memory_space<semaphore_mem>>) src(%dma_wait3A_322 : memref<100000x1024xf32, #tpu.memory_space<hbm>>) dst(%dma_wait3A_317 : memref<32x1024xf32, #tpu.memory_space<vmem>>)
    %add3A_323 = arith.constant 480 : i32
    %add3A_324 = arith.addi %mul3A_32, %add3A_323 : i32
    %dma_start3A_325 = arith.constant 0 : i32
    %dma_start3A_326 = arith.constant 0 : i32
    %dma_start3A_327 = tpu.memref_slice %arg6[%dma_start3A_325, %dma_start3A_326] : memref<56x1024xf32, #tpu.memory_space<vmem>> -> memref<32x1024xf32, #tpu.memory_space<vmem>>
    %dma_start3A_328 = arith.constant 0 : i32
    %dma_start3A_329 = tpu.memref_slice %arg4[%select_n3A, %add3A_324, %dma_start3A_328] : memref<4x4096x1024xf32, #tpu.memory_space<hbm>> -> memref<1x32x1024xf32, #tpu.memory_space<hbm>>
    %dma_start3A_330 = tpu.memref_squeeze %dma_start3A_329 : memref<1x32x1024xf32, #tpu.memory_space<hbm>> -> memref<32x1024xf32, #tpu.memory_space<hbm>>
    %dma_start3A_331 = arith.constant 0 : i32
    %dma_start3A_332 = tpu.memref_slice %arg4[%select_n3A, %add3A_324, %dma_start3A_331] : memref<4x4096x1024xf32, #tpu.memory_space<hbm>> -> memref<1x32x1024xf32, #tpu.memory_space<hbm>>
    %dma_start3A_333 = tpu.memref_squeeze %dma_start3A_332 : memref<1x32x1024xf32, #tpu.memory_space<hbm>> -> memref<32x1024xf32, #tpu.memory_space<hbm>>
    %dma_start3A_334 = arith.constant 0 : i32
    %dma_start3A_335 = arith.constant 0 : i32
    %dma_start3A_336 = tpu.memref_slice %arg6[%dma_start3A_334, %dma_start3A_335] : memref<56x1024xf32, #tpu.memory_space<vmem>> -> memref<32x1024xf32, #tpu.memory_space<vmem>>
    tpu.enqueue_dma source(%dma_start3A_336 : memref<32x1024xf32, #tpu.memory_space<vmem>>) target(%dma_start3A_333 : memref<32x1024xf32, #tpu.memory_space<hbm>>) target_semaphore(%arg12 : memref<!tpu.dma_semaphore, #tpu.memory_space<semaphore_mem>>)
    %dma_wait3A_337 = arith.constant 0 : i32
    %dma_wait3A_338 = arith.constant 0 : i32
    %dma_wait3A_339 = tpu.memref_slice %arg6[%dma_wait3A_337, %dma_wait3A_338] : memref<56x1024xf32, #tpu.memory_space<vmem>> -> memref<32x1024xf32, #tpu.memory_space<vmem>>
    %dma_wait3A_340 = arith.constant 0 : i32
    %dma_wait3A_341 = tpu.memref_slice %arg4[%select_n3A, %add3A_324, %dma_wait3A_340] : memref<4x4096x1024xf32, #tpu.memory_space<hbm>> -> memref<1x32x1024xf32, #tpu.memory_space<hbm>>
    %dma_wait3A_342 = tpu.memref_squeeze %dma_wait3A_341 : memref<1x32x1024xf32, #tpu.memory_space<hbm>> -> memref<32x1024xf32, #tpu.memory_space<hbm>>
    %dma_wait3A_343 = arith.constant 0 : i32
    %dma_wait3A_344 = tpu.memref_slice %arg4[%select_n3A, %add3A_324, %dma_wait3A_343] : memref<4x4096x1024xf32, #tpu.memory_space<hbm>> -> memref<1x32x1024xf32, #tpu.memory_space<hbm>>
    %dma_wait3A_345 = tpu.memref_squeeze %dma_wait3A_344 : memref<1x32x1024xf32, #tpu.memory_space<hbm>> -> memref<32x1024xf32, #tpu.memory_space<hbm>>
    %dma_wait3A_346 = arith.constant 0 : i32
    %dma_wait3A_347 = arith.constant 0 : i32
    %dma_wait3A_348 = tpu.memref_slice %arg6[%dma_wait3A_346, %dma_wait3A_347] : memref<56x1024xf32, #tpu.memory_space<vmem>> -> memref<32x1024xf32, #tpu.memory_space<vmem>>
    tpu.wait_dma2 semaphore(%arg12 : memref<!tpu.dma_semaphore, #tpu.memory_space<semaphore_mem>>) src(%dma_wait3A_348 : memref<32x1024xf32, #tpu.memory_space<vmem>>) dst(%dma_wait3A_345 : memref<32x1024xf32, #tpu.memory_space<hbm>>)
    %dma_wait3A_349 = arith.constant 0 : i32
    %dma_wait3A_350 = tpu.memref_slice %arg4[%select_n3A, %add3A_281, %dma_wait3A_349] : memref<4x4096x1024xf32, #tpu.memory_space<hbm>> -> memref<1x32x1024xf32, #tpu.memory_space<hbm>>
    %dma_wait3A_351 = tpu.memref_squeeze %dma_wait3A_350 : memref<1x32x1024xf32, #tpu.memory_space<hbm>> -> memref<32x1024xf32, #tpu.memory_space<hbm>>
    %dma_wait3A_352 = arith.constant 0 : i32
    %dma_wait3A_353 = tpu.memref_slice %arg4[%select_n3A, %add3A_281, %dma_wait3A_352] : memref<4x4096x1024xf32, #tpu.memory_space<hbm>> -> memref<1x32x1024xf32, #tpu.memory_space<hbm>>
    %dma_wait3A_354 = tpu.memref_squeeze %dma_wait3A_353 : memref<1x32x1024xf32, #tpu.memory_space<hbm>> -> memref<32x1024xf32, #tpu.memory_space<hbm>>
    tpu.wait_dma2 semaphore(%arg13 : memref<!tpu.dma_semaphore, #tpu.memory_space<semaphore_mem>>) src(%arg7 : memref<32x1024xf32, #tpu.memory_space<vmem>>) dst(%dma_wait3A_354 : memref<32x1024xf32, #tpu.memory_space<hbm>>)
    %dma_wait3A_355 = arith.constant 0 : i32
    %dma_wait3A_356 = tpu.memref_slice %arg4[%select_n3A, %add3A_308, %dma_wait3A_355] : memref<4x4096x1024xf32, #tpu.memory_space<hbm>> -> memref<1x32x1024xf32, #tpu.memory_space<hbm>>
    %dma_wait3A_357 = tpu.memref_squeeze %dma_wait3A_356 : memref<1x32x1024xf32, #tpu.memory_space<hbm>> -> memref<32x1024xf32, #tpu.memory_space<hbm>>
    %dma_wait3A_358 = arith.constant 0 : i32
    %dma_wait3A_359 = tpu.memref_slice %arg4[%select_n3A, %add3A_308, %dma_wait3A_358] : memref<4x4096x1024xf32, #tpu.memory_space<hbm>> -> memref<1x32x1024xf32, #tpu.memory_space<hbm>>
    %dma_wait3A_360 = tpu.memref_squeeze %dma_wait3A_359 : memref<1x32x1024xf32, #tpu.memory_space<hbm>> -> memref<32x1024xf32, #tpu.memory_space<hbm>>
    tpu.wait_dma2 semaphore(%arg14 : memref<!tpu.dma_semaphore, #tpu.memory_space<semaphore_mem>>) src(%arg8 : memref<32x1024xf32, #tpu.memory_space<vmem>>) dst(%dma_wait3A_360 : memref<32x1024xf32, #tpu.memory_space<hbm>>)
    return
  }
}

</mosaic_0001>

<sc_bundles>
// kernel: kernel.3.cloned.1.call-start
scs
__scs_entry_jumppad:
0x0: {  	(pc) =	sbr.rel $0x88, $3  }
0x1: {  	(tag) =	ssettag $0x0;
	lr =	simm.s32 $0x1  }
0x2: {  	[smem:$0x3F9F] =	sst lr;
	_ =	strace $0xD0000000  }
0x3: {  	_ = 	snop  }
0x4: {  	_ = 	snop  }
0x5: {  	_ = 	snop  }
0x6: {  	_ = 	snop  }
0x7: {  	_ = 	snop  }
__scs_overlays_trampoline_lowered:
0x8: {  	[smem:$0x3FAE] =	sst s0  }
0x9: {  	[smem:$0x3FAF] =	sst s1  }
0xa: {  	[smem:$0x3FB0] =	sst s2  }
0xb: {  	[smem:$0x3FB1] =	sst s3  }
0xc: {  	[smem:$0x3FB2] =	sst s4  }
0xd: {  	[smem:$0x3FB3] =	sst s5  }
0xe: {  	[smem:$0x3FB4] =	sst s6  }
0xf: {  	[smem:$0x3FB5] =	sst s7  }
0x10: {  	[smem:$0x3FB6] =	sst s8  }
0x11: {  	[smem:$0x3FB7] =	sst s9;
	s0 =	simm.s32 @!p0 $0x0  }
0x12: {  	s1 =	sld [smem:$0x3F9D];
	s0 =	simm.s32 @p0 $0x1  }
0x13: {  	[smem:$0x3FB8] =	sst s0;
	s0 =	simm.s32 @!p1 $0x0  }
0x14: {  	s2 =	sld [smem:$0x3F9C];
	s0 =	simm.s32 @p1 $0x1  }
0x15: {  	[smem:$0x3FB9] =	sst s0;
	s0 =	simm.s32 @!p2 $0x0  }
0x16: {  	s3 =	sld [smem:$0x3FDB];
	s0 =	simm.s32 @p2 $0x1  }
0x17: {  	s4 =	simm.s32 $0x1BF5;
	[smem:$0x3FBB] =	sst s0  }
0x18: {  	s0 =	sld [smem:$0x3F9E];
	_ =	swait.ge [sflag:s4], $0x0  }
0x19: {  	s7 =	sld [smem:$0x3F9F]  }
0x1a: {  	s8 =	sadd.s32 $0xFFFFE003, lr  }
0x1b: {  	s9 =	sadd.s32 $0xFFFFFEF7, lr;
	s5 =	simm.s32 $0xFFFFFFFF;
	p2 =	slt.u32 s8, $0xFFFFF086  }
0x1c: {  	p1 =	slt.u32 s9, $0xF7A;
	s5 =	simm.s32 @!p2 $0x0  }
0x1d: {  	s5 =	simm.s32 @p1 $0x1;
	p0 =	seq.s32 s7, s2  }
0x1e: {  	s7 =	smul.u32 @!p0 $0xF7A, s2;
	p2 =	seq.s32 @!p0 s5, $0x0  }
0x1f: {  	s9 =	smul.u32 $0xF7A, s1;
	s8 =	simm.s32 @!p0 $0x1BF5;
	p2 =	por !p2, p0  }
0x20: {  	[sflag:s8] =	ssyncset.s32 @!p0 $0xFFFFF086;
	s6 =	sadd.s32 @!p0 s3, s7;
	s7 =	simm.s32 @!p0 $0x108  }
0x21: {  	s3 =	sadd.s32 s3, s9;
	s6 =	sadd.s32 @!p0 $0x88, s6;
	s7 =	simm.s32 @p2 $0x1082  }
0x22: {  	[simem:s7], [sflag:s8] =	dma.local @!p0 [hbm:s6], $0xF7A  }
0x23: {  	s9 =	sor.u32 $0xD0000000, s2;
	s6 =	simm.s32 $0x108;
	_ =	swait.ge @!p0 [sflag:s8], $0x0  }
0x24: {  	s3 =	sadd.s32 $0x88, s3;
	s6 =	simm.s32 @!p1 $0x1082;
	[sflag:s4] =	ssyncset.s32 $0xFFFFF086  }
0x25: {  	[simem:s6], [sflag:s4] =	dma.local [hbm:s3], $0xF7A  }
0x26: {  	[smem:$0x3F9F] =	sst s1;
	(tag) =	ssettag s2;
	_ =	strace s9  }
0x27: {  	s1 =	sld [smem:$0x3FAF]  }
0x28: {  	s2 =	sld [smem:$0x3FB0]  }
0x29: {  	s4 =	sld [smem:$0x3FB2]  }
0x2a: {  	p0 =	seq.s32 s5, $0x0;
	s5 =	sld [smem:$0x3FB3]  }
0x2b: {  	s6 =	sld [smem:$0x3FB4]  }
0x2c: {  	s7 =	sld [smem:$0x3FB5]  }
0x2d: {  	s3 =	simm.s32 $0x108;
	s8 =	sld [smem:$0x3FB6]  }
0x2e: {  	s3 =	simm.s32 @!p0 $0x1082;
	s9 =	sld [smem:$0x3FB7]  }
0x2f: {  	lr =	sadd.s32 s0, s3;
	s0 =	sld [smem:$0x3FAE]  }
0x30: {  	s3 =	sld [smem:$0x3FB1]  }
0x31: {  	[smem:$0x3FBA] =	sst s10  }
0x32: {  	s10 =	sld [smem:$0x3FB8];
	_ =	sdelay $0x3  }
0x33: {  	p0 =	seq.s32 s10, $0x1;
	s10 =	sld [smem:$0x3FBA];
	_ =	sdelay $0x3  }
0x34: {  	[smem:$0x3FBA] =	sst s10  }
0x35: {  	s10 =	sld [smem:$0x3FB9];
	_ =	sdelay $0x3  }
0x36: {  	p1 =	seq.s32 s10, $0x1;
	s10 =	sld [smem:$0x3FBA];
	_ =	sdelay $0x3  }
0x37: {  	[smem:$0x3FBA] =	sst s10  }
0x38: {  	s10 =	sld [smem:$0x3FBB]  }
0x39: {  	_ = 	snop;
	(pc) =	sbr.ind lr, $3  }
0x3a: {  	_ = 	snop  }
0x3b: {  	_ = 	snop  }
0x3c: {  	p2 =	seq.s32 s10, $0x1;
	s10 =	sld [smem:$0x3FBA]  }
0x3d: {  	_ =	shalt  }
0x3e: {  	_ =	shalt  }
0x3f: {  	_ =	shalt  }
0x40: {  	_ =	shalt  }
0x41: {  	_ =	shalt  }
0x42: {  	_ =	shalt  }
0x43: {  	_ =	shalt  }
0x44: {  	_ =	shalt  }
0x45: {  	_ =	shalt  }
0x46: {  	_ =	shalt  }
0x47: {  	_ =	shalt  }
0x48: {  	_ =	shalt  }
0x49: {  	_ =	shalt  }
0x4a: {  	_ =	shalt  }
0x4b: {  	_ =	shalt  }
0x4c: {  	_ =	shalt  }
0x4d: {  	_ =	shalt  }
0x4e: {  	_ =	shalt  }
0x4f: {  	_ =	shalt  }
0x50: {  	_ =	shalt  }
0x51: {  	_ =	shalt  }
0x52: {  	_ =	shalt  }
0x53: {  	_ =	shalt  }
0x54: {  	_ =	shalt  }
0x55: {  	_ =	shalt  }
0x56: {  	_ =	shalt  }
0x57: {  	_ =	shalt  }
0x58: {  	_ =	shalt  }
0x59: {  	_ =	shalt  }
0x5a: {  	_ =	shalt  }
0x5b: {  	_ =	shalt  }
0x5c: {  	_ =	shalt  }
0x5d: {  	_ =	shalt  }
0x5e: {  	_ =	shalt  }
0x5f: {  	_ =	shalt  }
0x60: {  	_ =	shalt  }
0x61: {  	_ =	shalt  }
0x62: {  	_ =	shalt  }
0x63: {  	_ =	shalt  }
0x64: {  	_ =	shalt  }
0x65: {  	_ =	shalt  }
0x66: {  	_ =	shalt  }
0x67: {  	_ =	shalt  }
0x68: {  	_ =	shalt  }
0x69: {  	_ =	shalt  }
0x6a: {  	_ =	shalt  }
0x6b: {  	_ =	shalt  }
0x6c: {  	_ =	shalt  }
0x6d: {  	_ =	shalt  }
0x6e: {  	_ =	shalt  }
0x6f: {  	_ =	shalt  }
0x70: {  	_ =	shalt  }
0x71: {  	_ =	shalt  }
0x72: {  	_ =	shalt  }
0x73: {  	_ =	shalt  }
0x74: {  	_ =	shalt  }
0x75: {  	_ =	shalt  }
0x76: {  	_ =	shalt  }
0x77: {  	_ =	shalt  }
0x78: {  	_ =	shalt  }
0x79: {  	_ =	shalt  }
0x7a: {  	_ =	shalt  }
0x7b: {  	_ =	shalt  }
0x7c: {  	_ =	shalt  }
0x7d: {  	_ =	shalt  }
0x7e: {  	_ =	shalt  }
0x7f: {  	_ =	shalt  }
0x80: {  	_ =	shalt  }
0x81: {  	_ =	shalt  }
0x82: {  	_ =	shalt  }
0x83: {  	_ =	shalt  }
0x84: {  	_ =	shalt  }
0x85: {  	_ =	shalt  }
0x86: {  	_ =	shalt  }
0x87: {  	_ =	shalt  }
.Lfunc_end0:
.L_simem_size_0:
called_computation_lowered:
.L_overlay_start_0:
0x88: {  	s2 =	sld [smem:$0x3FD9]  }
0x89: {  	s3 =	sld [smem:$0x3FFE];
	_ =	sdelay $0x1  }
0x8a: {  	s1 =	srdreg.scid  }
0x8b: {  	s0 =	sand.u32 $0x1, s1  }
0x8c: {  	s18 =	sshll.u32 s0, $0xA;
	s2 =	sadd.s32 s3, s2  }
0x8d: {  	s2 =	sadd.s32 s2, s18  }
0x8e: {  	[smem:$0x3FC6] =	sst s2  }
0x8f: {  	_ = 	snop  }
0x90: {  	s2 =	sld [smem:$0x3FC9]  }
0x91: {  	s19 =	sld [smem:$0x3FC8]  }
0x92: {  	s4 =	sld [smem:$0x3FD0];
	(tm) =	ssettm $0x1  }
0x93: {  	s5 =	sld [smem:$0x3FFB];
	_ =	sdelay $0x3  }
0x94: {  	_ =	strace s5  }
0x95: {  	s5 =	sld [smem:$0x3FFC];
	_ =	sdelay $0x3  }
0x96: {  	_ =	strace s5  }
0x97: {  	s5 =	sld [smem:$0x3FFD];
	_ =	sdelay $0x3  }
0x98: {  	_ =	strace s5  }
0x99: {  	_ =	strace $0x8FFFFFFF  }
0x9a: {  	s20 =	sld [smem:$0x3FDB];
	_ =	sdelay $0x1  }
0x9b: {  	s6 =	simm.s32 $_scs_section_size  }
0x9c: {  	s7 =	simm.s32 $_size__tile_overlayer_lowered;
	s8 =	simm.s32 $_tile_overlayer_lowered  }
0x9d: {  	s23 =	simm.s32 $0x1BFF;
	s22 =	sshll.u32 s8, $0x1;
	s5 =	sadd.s32 s6, s20  }
0x9e: {  	s9 =	simm.s32 $0x0;
	s21 =	sshll.u32 s7, $0x1;
	s7 =	sadd.s32 s22, s5  }
0x9f: {  	[timem:s9], [sflag:s23] =	dma.local [hbm:s7], s21  }
0xa0: {  	_ =	swait.ge [sflag:s23], s21  }
0xa1: {  	s6 =	ssub.s32 $0x0, s21;
	[sflag:s23] =	ssyncset.done $0x0  }
0xa2: {  	[sflag:s23] =	ssyncadd.s32 s6;
	_ =	sdelay $0x1  }
0xa3: {  	s24 =	simm.s32 $0x1B8B  }
0xa4: {  	_ =	swait.ge [sflag:s24], $0x1  }
0xa5: {  	[sflag:s24] =	ssyncset.done $0x0  }
0xa6: {  	s25 =	simm.s32 $0x1B8E;
	[sflag:s24] =	ssyncadd.s32 $0xFFFFFFFF  }
0xa7: {  	s26 =	simm.s32 $execute0_lowered;
	[smem:$0x3FD2] =	sst s25  }
0xa8: {  	s6 =	sshll.u32 s26, $0x1;
	_ =	strace $0x80000046;
	[dreg:$0x1] =	wrdreg $0xFFFFFFFF  }
0xa9: {  	s28 =	simm.s32 $_size_execute0_lowered;
	s5 =	sadd.s32 s5, s6;
	[dreg:$0x0] =	wrdreg $0x0  }
0xaa: {  	s6 =	sshll.u32 s28, $0x1;
	[dreg:$0x2] =	wrdreg s5  }
0xab: {  	[dreg:$0x3] =	wrdreg s6  }
0xac: {  	[dreg:$0x4] =	wrdreg $0xC0  }
0xad: {  	_ =	task [dreg:s9], $0x5FFFF  }
0xae: {  	[dreg:$0x1] =	wrdreg $0xFFFFFFFF  }
0xaf: {  	[dreg:$0x0] =	wrdreg $0x60  }
0xb0: {  	[dreg:$0x2] =	wrdreg s2  }
0xb1: {  	[dreg:$0x3] =	wrdreg s19  }
0xb2: {  	[dreg:$0x4] =	wrdreg s4  }
0xb3: {  	[dreg:$0x5] =	wrdreg $0x9  }
0xb4: {  	_ =	task.clear_ibuf [dreg:s9], $0x6FFFF;
	_ =	strace $0x90000046  }
0xb5: {  	s29 =	simm.s32 $0x9;
	_ =	strace $0x80000048  }
0xb6: {  	_ =	swait.ge [sflag:s29], $0x1  }
0xb7: {  	[sflag:s29] =	ssyncadd.s32 $0xFFFFFFFF  }
0xb8: {  	_ =	strace $0x90000048  }
0xb9: {  	_ =	sfence  }
0xba: {  	s30 =	sld [smem:$0x0];
	_ =	sdelay $0x2  }
0xbb: {  	s31 =	sshll.u32 s1, $0xD;
	s1 =	sshrl.u32 s1, $0x2  }
0xbc: {  	s3 =	sand.u32 $0x4000, s31;
	s1 =	sadd.s32 s1, s30  }
0xbd: {  	s0 =	sor.u32 s3, s0;
	s1 =	sshll.u32 s1, $0x11  }
0xbe: {  	s0 =	sor.u32 s1, s0  }
0xbf: {  	s0 =	sadd.s32 $0x8F2B, s0  }
0xc0: {  	[sflag:s0] =	ssyncadd.remote.s32 $0x1  }
0xc1: {  	_ =	sfence.sel $0xFFFF  }
0xc2: {  	[dreg:$0x0] =	wrdreg $0xFFFFFFFF;
	(pc) =	sbr.abs _section_cstart, $3  }
0xc3: {  	[dreg:$0x1] =	wrdreg $0xFFFFFFFF  }
0xc4: {  	_ =	task.clear_ibuf [dreg:s9], $0x2FFFF;
	_ =	strace $0x9FFFFFFF  }
0xc5: {  	(tm) =	ssettm $0x7FFFFFFF  }
tec
execute0_lowered:
.L_overlay_start_1:
0x0: {  	(tag) =	ssettag $0x1  }
0x1: {  	s0 =	rddreg [dreg:$0x0]  }
0x2: {  	s2 =	rddreg [dreg:$0x1]  }
0x3: {  	s1 =	rddreg [dreg:$0x2]  }
0x4: {  	s6 =	stileid.u32;
	s4 =	srdreg.scid  }
0x5: {  	s3 =	simm.s32 $0x0;
	s30 =	simm.s32 $0x80;
	s29 =	simm.s32 $0x1  }
0x6: {  	s5 =	sshll.u32 s6, $0x1;
	s4 =	sand.u32 $0x1, s4;
	s6 =	sshrl.u32 s6, $0x2  }
0x7: {  	[smem:$0x7FF] =	sst s3;
	s5 =	sand.u32 $0x6, s5;
	s8 =	sshll.u32 s6, $0x4  }
0x8: {  	s6 =	sshll.u32 s6, $0x13;
	_ =	strace $0x80000047;
	s5 =	sor.u32 s4, s5  }
0x9: {  	s0 =	sadd.s32 s0, s8;
	s7 =	sshll.u32 s5, $0x10;
	s5 =	sshll.u32 s5, $0x8  }
0xa: {  	[dreg:$0x11] =	wrdreg s30;
	s6 =	sor.u32 s6, s7;
	s0 =	sadd.s32 s5, s0  }
0xb: {  	s10 =	simm.s32 $0x2;
	s7 =	sadd.s32 s1, s6;
	[dreg:$0x4] =	wrdreg s0  }
0xc: {  	s28 =	simm.s32 $0x3;
	s14 =	sadd.s32 $0x1C00, s7;
	[dreg:$0x12] =	wrdreg s7  }
0xd: {  	s31 =	simm.s32 $0xE200;
	s15 =	sadd.s32 $0x2C00, s7;
	[dreg:$0x5] =	wrdreg s14  }
0xe: {  	s9 =	simm.s32 $0x16200;
	s16 =	sadd.s32 $0x3C00, s7;
	[dreg:$0x6] =	wrdreg s15  }
0xf: {  	s21 =	ssub.s32 $0x2, s4;
	s17 =	sadd.s32 $0x5800, s7;
	[dreg:$0x7] =	wrdreg s16  }
0x10: {  	s4 =	sshrl.u32 s21, $0x1;
	s18 =	sadd.s32 $0x6800, s7;
	[dreg:$0x8] =	wrdreg s17  }
0x11: {  	s5 =	sadd.s32 $0x100, s2;
	s19 =	sadd.s32 $0x7800, s7;
	[dreg:$0x9] =	wrdreg s18  }
0x12: {  	s1 =	ssub.s32 s21, s4;
	s20 =	sadd.s32 $0x9400, s7;
	[dreg:$0xa] =	wrdreg s19  }
0x13: {  	s6 =	sadd.s32 $0x200, s2;
	s22 =	sadd.s32 $0xA400, s7;
	[dreg:$0xb] =	wrdreg s20  }
0x14: {  	s0 =	simm.s32 $0x5;
	s23 =	sadd.s32 $0xB400, s7;
	[dreg:$0xc] =	wrdreg s22  }
0x15: {  	s24 =	sadd.s32 $0xD000, s7;
	s25 =	sadd.s32 $0xE000, s7;
	[dreg:$0xd] =	wrdreg s23  }
0x16: {  	v2 =	vlaneseq.u32;
	s26 =	sadd.s32 $0xF000, s7;
	s7 =	sadd.s32 $0x300, s2;
	[dreg:$0xe] =	wrdreg s24  }
0x17: {  	vm0 =	vmmov $0xffff;
	v1 =	vshrl.u32 v2, $0x3;
	s8 =	smax.u32 s1, $0x1;
	s1 =	simm.s32 $0x6;
	[dreg:$0xf] =	wrdreg s25  }
0x18: {  	v0 =	vand.u32 $0x7, v2;
	v2 =	vor.u32 $0x8, v2;
	v1 =	vmul.u32 $0x8, v1;
	[dreg:$0x10] =	wrdreg s26;
	s25 =	simm.s32 $0x200;
	s26 =	simm.s32 $0x4  }
.LBB2_1:
0x19: {  	s4 =	rddreg [dreg:$0x4]  }
0x1a: {  	s11 =	rddreg [dreg:$0x11];
	s20 =	simm.s32 $0x7  }
0x1b: {  	[tilespmem:s3], [sflag:$0x7] =	stream.strided.gather [hbm4b:s4+s11], $0x200, s25, s11, $0x38;
	[tilespmem:$0x1E200] =	vst v63  }
0x1c: {  	_ =	swait.ge [sflag:s20], $0x200  }
0x1d: {  	[sflag:s20] =	ssyncset.done $0x0  }
0x1e: {  	[sflag:s20] =	ssyncadd.s32 $0xFFFFFE00  }
0x1f: {  	v3 =	vld [tilespmem:$0x0];
	_ =	sdelay $0x4  }
0x20: {  	v4 =	vshll.u32 v3, $0x3  }
0x21: {  	v3 =	vand.u32 $0x7, v3;
	v4 =	vand.u32 $0xFFFFFFC0, v4  }
0x22: {  	v3 =	vor.u32 v3, v4  }
0x23: {  	v4 =	vperm.xlane v3, v0;
	_ =	sdelay $0x1  }
0x24: {  	v4 =	vadd.s32 v1, v4;
	_ =	sdelay $0x4  }
0x25: {  	[tilespmem:s25], [sflag:$0x1] =	stream.indirect_vreg.gather [hbm4b:s2+s3], $0x80, v4, vm0, $0xb8;
	[tilespmem:$0x1E200] =	vst v63  }
0x26: {  	s21 =	simm.s32 $0xA00;
	v3 =	vperm.xlane v3, v2  }
0x27: {  	[tilespmem:s21], [sflag:$0x1] =	stream.indirect_vreg.gather [hbm4b:s5+s3], $0x80, v4, vm0, $0xb8;
	[tilespmem:$0x1E200] =	vst v63  }
0x28: {  	s22 =	simm.s32 $0x1200;
	v3 =	vadd.s32 v1, v3  }
0x29: {  	[tilespmem:s22], [sflag:$0x1] =	stream.indirect_vreg.gather [hbm4b:s6+s3], $0x80, v4, vm0, $0xb8;
	[tilespmem:$0x1E200] =	vst v63  }
0x2a: {  	s23 =	simm.s32 $0x1A00  }
0x2b: {  	[tilespmem:s23], [sflag:$0x1] =	stream.indirect_vreg.gather [hbm4b:s7+s3], $0x80, v4, vm0, $0xb8;
	[tilespmem:$0x1E200] =	vst v63  }
0x2c: {  	s24 =	simm.s32 $0x2200  }
0x2d: {  	[tilespmem:s24], [sflag:$0x1] =	stream.indirect_vreg.gather [hbm4b:s2+s3], $0x80, v3, vm0, $0xb8;
	[tilespmem:$0x1E200] =	vst v63  }
0x2e: {  	s11 =	simm.s32 $0x2A00  }
0x2f: {  	[tilespmem:s11], [sflag:$0x1] =	stream.indirect_vreg.gather [hbm4b:s5+s3], $0x80, v3, vm0, $0xb8;
	[tilespmem:$0x1E200] =	vst v63  }
0x30: {  	s12 =	simm.s32 $0x3200  }
0x31: {  	[tilespmem:s12], [sflag:$0x1] =	stream.indirect_vreg.gather [hbm4b:s6+s3], $0x80, v3, vm0, $0xb8;
	[tilespmem:$0x1E200] =	vst v63  }
0x32: {  	s13 =	simm.s32 $0x3A00  }
0x33: {  	[tilespmem:s13], [sflag:$0x1] =	stream.indirect_vreg.gather [hbm4b:s7+s3], $0x80, v3, vm0, $0xb8;
	[tilespmem:$0x1E200] =	vst v63  }
0x34: {  	v3 =	vld [tilespmem:$0x10];
	_ =	sdelay $0x4  }
0x35: {  	v31 =	vshll.u32 v3, $0x3  }
0x36: {  	v3 =	vand.u32 $0x7, v3;
	v4 =	vand.u32 $0xFFFFFFC0, v31  }
0x37: {  	v3 =	vor.u32 v3, v4  }
0x38: {  	v4 =	vperm.xlane v3, v0;
	_ =	sdelay $0x1  }
0x39: {  	v4 =	vadd.s32 v1, v4;
	_ =	sdelay $0x3  }
0x3a: {  	s14 =	simm.s32 $0x4200  }
0x3b: {  	[tilespmem:s14], [sflag:$0x1] =	stream.indirect_vreg.gather [hbm4b:s2+s3], $0x80, v4, vm0, $0xb8;
	[tilespmem:$0x1E200] =	vst v63  }
0x3c: {  	s16 =	simm.s32 $0x4A00;
	v3 =	vperm.xlane v3, v2  }
0x3d: {  	[tilespmem:s16], [sflag:$0x1] =	stream.indirect_vreg.gather [hbm4b:s5+s3], $0x80, v4, vm0, $0xb8;
	[tilespmem:$0x1E200] =	vst v63  }
0x3e: {  	s17 =	simm.s32 $0x5200;
	v3 =	vadd.s32 v1, v3  }
0x3f: {  	[tilespmem:s17], [sflag:$0x1] =	stream.indirect_vreg.gather [hbm4b:s6+s3], $0x80, v4, vm0, $0xb8;
	[tilespmem:$0x1E200] =	vst v63  }
0x40: {  	s18 =	simm.s32 $0x5A00  }
0x41: {  	[tilespmem:s18], [sflag:$0x1] =	stream.indirect_vreg.gather [hbm4b:s7+s3], $0x80, v4, vm0, $0xb8;
	[tilespmem:$0x1E200] =	vst v63  }
0x42: {  	s19 =	simm.s32 $0x6200  }
0x43: {  	[tilespmem:s19], [sflag:$0x1] =	stream.indirect_vreg.gather [hbm4b:s2+s3], $0x80, v3, vm0, $0xb8;
	[tilespmem:$0x1E200] =	vst v63  }
0x44: {  	s20 =	simm.s32 $0x6A00  }
0x45: {  	[tilespmem:s20], [sflag:$0x1] =	stream.indirect_vreg.gather [hbm4b:s5+s3], $0x80, v3, vm0, $0xb8;
	[tilespmem:$0x1E200] =	vst v63  }
0x46: {  	s24 =	simm.s32 $0x7200  }
0x47: {  	[tilespmem:s24], [sflag:$0x1] =	stream.indirect_vreg.gather [hbm4b:s6+s3], $0x80, v3, vm0, $0xb8;
	[tilespmem:$0x1E200] =	vst v63  }
0x48: {  	s11 =	simm.s32 $0x7A00  }
0x49: {  	[tilespmem:s11], [sflag:$0x1] =	stream.indirect_vreg.gather [hbm4b:s7+s3], $0x80, v3, vm0, $0xb8;
	[tilespmem:$0x1E200] =	vst v63  }
0x4a: {  	v3 =	vld [tilespmem:$0x20];
	_ =	sdelay $0x4  }
0x4b: {  	v32 =	vshll.u32 v3, $0x3  }
0x4c: {  	v3 =	vand.u32 $0x7, v3;
	v4 =	vand.u32 $0xFFFFFFC0, v32  }
0x4d: {  	v3 =	vor.u32 v3, v4  }
0x4e: {  	v4 =	vperm.xlane v3, v0;
	_ =	sdelay $0x1  }
0x4f: {  	v4 =	vadd.s32 v1, v4;
	_ =	sdelay $0x3  }
0x50: {  	s12 =	simm.s32 $0x8200  }
0x51: {  	[tilespmem:s12], [sflag:$0x1] =	stream.indirect_vreg.gather [hbm4b:s2+s3], $0x80, v4, vm0, $0xb8;
	[tilespmem:$0x1E200] =	vst v63  }
0x52: {  	s13 =	simm.s32 $0x8A00;
	v3 =	vperm.xlane v3, v2  }
0x53: {  	[tilespmem:s13], [sflag:$0x1] =	stream.indirect_vreg.gather [hbm4b:s5+s3], $0x80, v4, vm0, $0xb8;
	[tilespmem:$0x1E200] =	vst v63  }
0x54: {  	s14 =	simm.s32 $0x9200;
	v3 =	vadd.s32 v1, v3  }
0x55: {  	[tilespmem:s14], [sflag:$0x1] =	stream.indirect_vreg.gather [hbm4b:s6+s3], $0x80, v4, vm0, $0xb8;
	[tilespmem:$0x1E200] =	vst v63  }
0x56: {  	s13 =	simm.s32 $0x9A00  }
0x57: {  	[tilespmem:s13], [sflag:$0x1] =	stream.indirect_vreg.gather [hbm4b:s7+s3], $0x80, v4, vm0, $0xb8;
	[tilespmem:$0x1E200] =	vst v63  }
0x58: {  	s14 =	simm.s32 $0xA200  }
0x59: {  	[tilespmem:s14], [sflag:$0x1] =	stream.indirect_vreg.gather [hbm4b:s2+s3], $0x80, v3, vm0, $0xb8;
	[tilespmem:$0x1E200] =	vst v63  }
0x5a: {  	s13 =	simm.s32 $0xAA00  }
0x5b: {  	[tilespmem:s13], [sflag:$0x1] =	stream.indirect_vreg.gather [hbm4b:s5+s3], $0x80, v3, vm0, $0xb8;
	[tilespmem:$0x1E200] =	vst v63  }
0x5c: {  	s14 =	simm.s32 $0xB200  }
0x5d: {  	[tilespmem:s14], [sflag:$0x1] =	stream.indirect_vreg.gather [hbm4b:s6+s3], $0x80, v3, vm0, $0xb8;
	[tilespmem:$0x1E200] =	vst v63  }
0x5e: {  	s13 =	simm.s32 $0xBA00  }
0x5f: {  	[tilespmem:s13], [sflag:$0x1] =	stream.indirect_vreg.gather [hbm4b:s7+s3], $0x80, v3, vm0, $0xb8;
	[tilespmem:$0x1E200] =	vst v63  }
0x60: {  	v3 =	vld.msk [tilespmem:$0x30], $0xff;
	_ =	sdelay $0x4  }
0x61: {  	v33 =	vshll.u32 v3, $0x3  }
0x62: {  	v3 =	vand.u32 $0x7, v3;
	v4 =	vand.u32 $0xFFFFFFC0, v33  }
0x63: {  	v3 =	vor.u32 v3, v4  }
0x64: {  	v3 =	vperm.xlane v3, v0;
	_ =	sdelay $0x1  }
0x65: {  	v3 =	vadd.s32 v1, v3;
	_ =	sdelay $0x3  }
0x66: {  	s14 =	simm.s32 $0xC200  }
0x67: {  	[tilespmem:s14], [sflag:$0x1] =	stream.indirect_vreg.gather [hbm4b:s2+s3], $0x80, v3, vm0, $0xb8;
	[tilespmem:$0x1E200] =	vst v63  }
0x68: {  	s14 =	simm.s32 $0xCA00  }
0x69: {  	[tilespmem:s14], [sflag:$0x1] =	stream.indirect_vreg.gather [hbm4b:s5+s3], $0x80, v3, vm0, $0xb8;
	[tilespmem:$0x1E200] =	vst v63  }
0x6a: {  	s14 =	simm.s32 $0xD200  }
0x6b: {  	[tilespmem:s14], [sflag:$0x1] =	stream.indirect_vreg.gather [hbm4b:s6+s3], $0x80, v3, vm0, $0xb8;
	[tilespmem:$0x1E200] =	vst v63  }
0x6c: {  	s14 =	simm.s32 $0xDA00  }
0x6d: {  	[tilespmem:s14], [sflag:$0x1] =	stream.indirect_vreg.gather [hbm4b:s7+s3], $0x80, v3, vm0, $0xb8;
	[tilespmem:$0x1E200] =	vst v63  }
0x6e: {  	v3 =	vld [tilespmem:$0x38];
	_ =	sdelay $0x4  }
0x6f: {  	v34 =	vshll.u32 v3, $0x3  }
0x70: {  	v3 =	vand.u32 $0x7, v3;
	v4 =	vand.u32 $0xFFFFFFC0, v34  }
0x71: {  	v3 =	vor.u32 v3, v4  }
0x72: {  	v4 =	vperm.xlane v3, v0;
	_ =	sdelay $0x1  }
0x73: {  	v4 =	vadd.s32 v1, v4;
	_ =	sdelay $0x4  }
0x74: {  	[tilespmem:s31], [sflag:$0x2] =	stream.indirect_vreg.gather [hbm4b:s2+s3], $0x80, v4, vm0, $0xb8;
	[tilespmem:$0x1E200] =	vst v63  }
0x75: {  	s4 =	simm.s32 $0xEA00;
	v3 =	vperm.xlane v3, v2  }
0x76: {  	[tilespmem:s4], [sflag:$0x2] =	stream.indirect_vreg.gather [hbm4b:s5+s3], $0x80, v4, vm0, $0xb8;
	[tilespmem:$0x1E200] =	vst v63  }
0x77: {  	v3 =	vadd.s32 v1, v3;
	s4 =	simm.s32 $0xF200  }
0x78: {  	[tilespmem:s4], [sflag:$0x2] =	stream.indirect_vreg.gather [hbm4b:s6+s3], $0x80, v4, vm0, $0xb8;
	[tilespmem:$0x1E200] =	vst v63  }
0x79: {  	s4 =	simm.s32 $0xFA00  }
0x7a: {  	[tilespmem:s4], [sflag:$0x2] =	stream.indirect_vreg.gather [hbm4b:s7+s3], $0x80, v4, vm0, $0xb8;
	[tilespmem:$0x1E200] =	vst v63  }
0x7b: {  	s4 =	simm.s32 $0x10200  }
0x7c: {  	[tilespmem:s4], [sflag:$0x2] =	stream.indirect_vreg.gather [hbm4b:s2+s3], $0x80, v3, vm0, $0xb8;
	[tilespmem:$0x1E200] =	vst v63  }
0x7d: {  	s4 =	simm.s32 $0x10A00  }
0x7e: {  	[tilespmem:s4], [sflag:$0x2] =	stream.indirect_vreg.gather [hbm4b:s5+s3], $0x80, v3, vm0, $0xb8;
	[tilespmem:$0x1E200] =	vst v63  }
0x7f: {  	s4 =	simm.s32 $0x11200  }
0x80: {  	[tilespmem:s4], [sflag:$0x2] =	stream.indirect_vreg.gather [hbm4b:s6+s3], $0x80, v3, vm0, $0xb8;
	[tilespmem:$0x1E200] =	vst v63  }
0x81: {  	s4 =	simm.s32 $0x11A00  }
0x82: {  	[tilespmem:s4], [sflag:$0x2] =	stream.indirect_vreg.gather [hbm4b:s7+s3], $0x80, v3, vm0, $0xb8;
	[tilespmem:$0x1E200] =	vst v63  }
0x83: {  	v3 =	vld [tilespmem:$0x48];
	_ =	sdelay $0x4  }
0x84: {  	v35 =	vshll.u32 v3, $0x3  }
0x85: {  	v3 =	vand.u32 $0x7, v3;
	v4 =	vand.u32 $0xFFFFFFC0, v35  }
0x86: {  	v3 =	vor.u32 v3, v4  }
0x87: {  	v4 =	vperm.xlane v3, v0;
	_ =	sdelay $0x1  }
0x88: {  	v4 =	vadd.s32 v1, v4;
	_ =	sdelay $0x3  }
0x89: {  	s4 =	simm.s32 $0x12200  }
0x8a: {  	[tilespmem:s4], [sflag:$0x2] =	stream.indirect_vreg.gather [hbm4b:s2+s3], $0x80, v4, vm0, $0xb8;
	[tilespmem:$0x1E200] =	vst v63  }
0x8b: {  	v3 =	vperm.xlane v3, v2;
	s4 =	simm.s32 $0x12A00  }
0x8c: {  	[tilespmem:s4], [sflag:$0x2] =	stream.indirect_vreg.gather [hbm4b:s5+s3], $0x80, v4, vm0, $0xb8;
	[tilespmem:$0x1E200] =	vst v63  }
0x8d: {  	v3 =	vadd.s32 v1, v3;
	s4 =	simm.s32 $0x13200  }
0x8e: {  	[tilespmem:s4], [sflag:$0x2] =	stream.indirect_vreg.gather [hbm4b:s6+s3], $0x80, v4, vm0, $0xb8;
	[tilespmem:$0x1E200] =	vst v63  }
0x8f: {  	s4 =	simm.s32 $0x13A00  }
0x90: {  	[tilespmem:s4], [sflag:$0x2] =	stream.indirect_vreg.gather [hbm4b:s7+s3], $0x80, v4, vm0, $0xb8;
	[tilespmem:$0x1E200] =	vst v63  }
0x91: {  	s4 =	simm.s32 $0x14200  }
0x92: {  	[tilespmem:s4], [sflag:$0x2] =	stream.indirect_vreg.gather [hbm4b:s2+s3], $0x80, v3, vm0, $0xb8;
	[tilespmem:$0x1E200] =	vst v63  }
0x93: {  	s4 =	simm.s32 $0x14A00  }
0x94: {  	[tilespmem:s4], [sflag:$0x2] =	stream.indirect_vreg.gather [hbm4b:s5+s3], $0x80, v3, vm0, $0xb8;
	[tilespmem:$0x1E200] =	vst v63  }
0x95: {  	s4 =	simm.s32 $0x15200  }
0x96: {  	[tilespmem:s4], [sflag:$0x2] =	stream.indirect_vreg.gather [hbm4b:s6+s3], $0x80, v3, vm0, $0xb8;
	[tilespmem:$0x1E200] =	vst v63  }
0x97: {  	s4 =	simm.s32 $0x15A00  }
0x98: {  	[tilespmem:s4], [sflag:$0x2] =	stream.indirect_vreg.gather [hbm4b:s7+s3], $0x80, v3, vm0, $0xb8;
	[tilespmem:$0x1E200] =	vst v63  }
0x99: {  	_ =	swait.ge [sflag:s29], $0xE000  }
0x9a: {  	[sflag:s29] =	ssyncset.done $0x0  }
0x9b: {  	s4 =	rddreg [dreg:$0x12];
	[sflag:s29] =	ssyncadd.s32 $0xFFFF2000  }
0x9c: {  	[hbm4b:s4+s3] =	stream.linear.scatter [tilespmem:s25], [sflag:$0x4], $0xE000, $0x38;
	[tilespmem:$0x1E200] =	vst v63  }
0x9d: {  	v3 =	vld [tilespmem:$0x58];
	_ =	sdelay $0x4  }
0x9e: {  	v36 =	vshll.u32 v3, $0x3  }
0x9f: {  	v3 =	vand.u32 $0x7, v3;
	v4 =	vand.u32 $0xFFFFFFC0, v36  }
0xa0: {  	v3 =	vor.u32 v3, v4  }
0xa1: {  	v4 =	vperm.xlane v3, v0;
	_ =	sdelay $0x1  }
0xa2: {  	v4 =	vadd.s32 v1, v4;
	_ =	sdelay $0x4  }
0xa3: {  	[tilespmem:s9], [sflag:$0x3] =	stream.indirect_vreg.gather [hbm4b:s2+s3], $0x80, v4, vm0, $0xb8;
	[tilespmem:$0x1E200] =	vst v63  }
0xa4: {  	s4 =	simm.s32 $0x16A00;
	v3 =	vperm.xlane v3, v2  }
0xa5: {  	[tilespmem:s4], [sflag:$0x3] =	stream.indirect_vreg.gather [hbm4b:s5+s3], $0x80, v4, vm0, $0xb8;
	[tilespmem:$0x1E200] =	vst v63  }
0xa6: {  	v3 =	vadd.s32 v1, v3;
	s4 =	simm.s32 $0x17200  }
0xa7: {  	[tilespmem:s4], [sflag:$0x3] =	stream.indirect_vreg.gather [hbm4b:s6+s3], $0x80, v4, vm0, $0xb8;
	[tilespmem:$0x1E200] =	vst v63  }
0xa8: {  	s4 =	simm.s32 $0x17A00  }
0xa9: {  	[tilespmem:s4], [sflag:$0x3] =	stream.indirect_vreg.gather [hbm4b:s7+s3], $0x80, v4, vm0, $0xb8;
	[tilespmem:$0x1E200] =	vst v63  }
0xaa: {  	s4 =	simm.s32 $0x18200  }
0xab: {  	[tilespmem:s4], [sflag:$0x3] =	stream.indirect_vreg.gather [hbm4b:s2+s3], $0x80, v3, vm0, $0xb8;
	[tilespmem:$0x1E200] =	vst v63  }
0xac: {  	s4 =	simm.s32 $0x18A00  }
0xad: {  	[tilespmem:s4], [sflag:$0x3] =	stream.indirect_vreg.gather [hbm4b:s5+s3], $0x80, v3, vm0, $0xb8;
	[tilespmem:$0x1E200] =	vst v63  }
0xae: {  	s4 =	simm.s32 $0x19200  }
0xaf: {  	[tilespmem:s4], [sflag:$0x3] =	stream.indirect_vreg.gather [hbm4b:s6+s3], $0x80, v3, vm0, $0xb8;
	[tilespmem:$0x1E200] =	vst v63  }
0xb0: {  	s4 =	simm.s32 $0x19A00  }
0xb1: {  	[tilespmem:s4], [sflag:$0x3] =	stream.indirect_vreg.gather [hbm4b:s7+s3], $0x80, v3, vm0, $0xb8;
	[tilespmem:$0x1E200] =	vst v63  }
0xb2: {  	v3 =	vld [tilespmem:$0x68];
	_ =	sdelay $0x4  }
0xb3: {  	v37 =	vshll.u32 v3, $0x3  }
0xb4: {  	v3 =	vand.u32 $0x7, v3;
	v4 =	vand.u32 $0xFFFFFFC0, v37  }
0xb5: {  	v3 =	vor.u32 v3, v4  }
0xb6: {  	v4 =	vperm.xlane v3, v0;
	_ =	sdelay $0x1  }
0xb7: {  	v4 =	vadd.s32 v1, v4;
	_ =	sdelay $0x3  }
0xb8: {  	s4 =	simm.s32 $0x1A200  }
0xb9: {  	[tilespmem:s4], [sflag:$0x3] =	stream.indirect_vreg.gather [hbm4b:s2+s3], $0x80, v4, vm0, $0xb8;
	[tilespmem:$0x1E200] =	vst v63  }
0xba: {  	v3 =	vperm.xlane v3, v2;
	s4 =	simm.s32 $0x1AA00  }
0xbb: {  	[tilespmem:s4], [sflag:$0x3] =	stream.indirect_vreg.gather [hbm4b:s5+s3], $0x80, v4, vm0, $0xb8;
	[tilespmem:$0x1E200] =	vst v63  }
0xbc: {  	v3 =	vadd.s32 v1, v3;
	s4 =	simm.s32 $0x1B200  }
0xbd: {  	[tilespmem:s4], [sflag:$0x3] =	stream.indirect_vreg.gather [hbm4b:s6+s3], $0x80, v4, vm0, $0xb8;
	[tilespmem:$0x1E200] =	vst v63  }
0xbe: {  	s4 =	simm.s32 $0x1BA00  }
0xbf: {  	[tilespmem:s4], [sflag:$0x3] =	stream.indirect_vreg.gather [hbm4b:s7+s3], $0x80, v4, vm0, $0xb8;
	[tilespmem:$0x1E200] =	vst v63  }
0xc0: {  	s4 =	simm.s32 $0x1C200  }
0xc1: {  	[tilespmem:s4], [sflag:$0x3] =	stream.indirect_vreg.gather [hbm4b:s2+s3], $0x80, v3, vm0, $0xb8;
	[tilespmem:$0x1E200] =	vst v63  }
0xc2: {  	s4 =	simm.s32 $0x1CA00  }
0xc3: {  	[tilespmem:s4], [sflag:$0x3] =	stream.indirect_vreg.gather [hbm4b:s5+s3], $0x80, v3, vm0, $0xb8;
	[tilespmem:$0x1E200] =	vst v63  }
0xc4: {  	s4 =	simm.s32 $0x1D200  }
0xc5: {  	[tilespmem:s4], [sflag:$0x3] =	stream.indirect_vreg.gather [hbm4b:s6+s3], $0x80, v3, vm0, $0xb8;
	[tilespmem:$0x1E200] =	vst v63  }
0xc6: {  	s4 =	simm.s32 $0x1DA00  }
0xc7: {  	[tilespmem:s4], [sflag:$0x3] =	stream.indirect_vreg.gather [hbm4b:s7+s3], $0x80, v3, vm0, $0xb8;
	[tilespmem:$0x1E200] =	vst v63  }
0xc8: {  	_ =	swait.ge [sflag:s10], $0x8000  }
0xc9: {  	[sflag:s10] =	ssyncset.done $0x0  }
0xca: {  	s4 =	rddreg [dreg:$0x5];
	[sflag:s10] =	ssyncadd.s32 $0xFFFF8000  }
0xcb: {  	[hbm4b:s4+s3] =	stream.linear.scatter [tilespmem:s31], [sflag:$0x5], $0x8000, $0x38;
	[tilespmem:$0x1E200] =	vst v63  }
0xcc: {  	_ =	swait.ge [sflag:s26], $0xE000  }
0xcd: {  	[sflag:s26] =	ssyncset.done $0x0  }
0xce: {  	[sflag:s26] =	ssyncadd.s32 $0xFFFF2000  }
0xcf: {  	v3 =	vld [tilespmem:$0x78];
	_ =	sdelay $0x4  }
0xd0: {  	v38 =	vshll.u32 v3, $0x3  }
0xd1: {  	v3 =	vand.u32 $0x7, v3;
	v4 =	vand.u32 $0xFFFFFFC0, v38  }
0xd2: {  	v3 =	vor.u32 v3, v4  }
0xd3: {  	v4 =	vperm.xlane v3, v0;
	_ =	sdelay $0x1  }
0xd4: {  	v4 =	vadd.s32 v1, v4;
	_ =	sdelay $0x4  }
0xd5: {  	[tilespmem:s25], [sflag:$0x1] =	stream.indirect_vreg.gather [hbm4b:s2+s3], $0x80, v4, vm0, $0xb8;
	[tilespmem:$0x1E200] =	vst v63  }
0xd6: {  	s30 =	simm.s32 $0xA00;
	v3 =	vperm.xlane v3, v2  }
0xd7: {  	[tilespmem:s30], [sflag:$0x1] =	stream.indirect_vreg.gather [hbm4b:s5+s3], $0x80, v4, vm0, $0xb8;
	[tilespmem:$0x1E200] =	vst v63  }
0xd8: {  	s4 =	simm.s32 $0x1200;
	v3 =	vadd.s32 v1, v3  }
0xd9: {  	[tilespmem:s4], [sflag:$0x1] =	stream.indirect_vreg.gather [hbm4b:s6+s3], $0x80, v4, vm0, $0xb8;
	[tilespmem:$0x1E200] =	vst v63  }
0xda: {  	s4 =	simm.s32 $0x1A00  }
0xdb: {  	[tilespmem:s4], [sflag:$0x1] =	stream.indirect_vreg.gather [hbm4b:s7+s3], $0x80, v4, vm0, $0xb8;
	[tilespmem:$0x1E200] =	vst v63  }
0xdc: {  	s4 =	simm.s32 $0x2200  }
0xdd: {  	[tilespmem:s4], [sflag:$0x1] =	stream.indirect_vreg.gather [hbm4b:s2+s3], $0x80, v3, vm0, $0xb8;
	[tilespmem:$0x1E200] =	vst v63  }
0xde: {  	s4 =	simm.s32 $0x2A00  }
0xdf: {  	[tilespmem:s4], [sflag:$0x1] =	stream.indirect_vreg.gather [hbm4b:s5+s3], $0x80, v3, vm0, $0xb8;
	[tilespmem:$0x1E200] =	vst v63  }
0xe0: {  	s15 =	simm.s32 $0x3200  }
0xe1: {  	[tilespmem:s15], [sflag:$0x1] =	stream.indirect_vreg.gather [hbm4b:s6+s3], $0x80, v3, vm0, $0xb8;
	[tilespmem:$0x1E200] =	vst v63  }
0xe2: {  	s21 =	simm.s32 $0x3A00  }
0xe3: {  	[tilespmem:s21], [sflag:$0x1] =	stream.indirect_vreg.gather [hbm4b:s7+s3], $0x80, v3, vm0, $0xb8;
	[tilespmem:$0x1E200] =	vst v63  }
0xe4: {  	v3 =	vld [tilespmem:$0x88];
	_ =	sdelay $0x4  }
0xe5: {  	v39 =	vshll.u32 v3, $0x3  }
0xe6: {  	v3 =	vand.u32 $0x7, v3;
	v4 =	vand.u32 $0xFFFFFFC0, v39  }
0xe7: {  	v3 =	vor.u32 v3, v4  }
0xe8: {  	v4 =	vperm.xlane v3, v0;
	_ =	sdelay $0x1  }
0xe9: {  	v4 =	vadd.s32 v1, v4;
	_ =	sdelay $0x3  }
0xea: {  	s22 =	simm.s32 $0x4200  }
0xeb: {  	[tilespmem:s22], [sflag:$0x1] =	stream.indirect_vreg.gather [hbm4b:s2+s3], $0x80, v4, vm0, $0xb8;
	[tilespmem:$0x1E200] =	vst v63  }
0xec: {  	s23 =	simm.s32 $0x4A00;
	v3 =	vperm.xlane v3, v2  }
0xed: {  	[tilespmem:s23], [sflag:$0x1] =	stream.indirect_vreg.gather [hbm4b:s5+s3], $0x80, v4, vm0, $0xb8;
	[tilespmem:$0x1E200] =	vst v63  }
0xee: {  	s16 =	simm.s32 $0x5200;
	v3 =	vadd.s32 v1, v3  }
0xef: {  	[tilespmem:s16], [sflag:$0x1] =	stream.indirect_vreg.gather [hbm4b:s6+s3], $0x80, v4, vm0, $0xb8;
	[tilespmem:$0x1E200] =	vst v63  }
0xf0: {  	s17 =	simm.s32 $0x5A00  }
0xf1: {  	[tilespmem:s17], [sflag:$0x1] =	stream.indirect_vreg.gather [hbm4b:s7+s3], $0x80, v4, vm0, $0xb8;
	[tilespmem:$0x1E200] =	vst v63  }
0xf2: {  	s18 =	simm.s32 $0x6200  }
0xf3: {  	[tilespmem:s18], [sflag:$0x1] =	stream.indirect_vreg.gather [hbm4b:s2+s3], $0x80, v3, vm0, $0xb8;
	[tilespmem:$0x1E200] =	vst v63  }
0xf4: {  	s19 =	simm.s32 $0x6A00  }
0xf5: {  	[tilespmem:s19], [sflag:$0x1] =	stream.indirect_vreg.gather [hbm4b:s5+s3], $0x80, v3, vm0, $0xb8;
	[tilespmem:$0x1E200] =	vst v63  }
0xf6: {  	s20 =	simm.s32 $0x7200  }
0xf7: {  	[tilespmem:s20], [sflag:$0x1] =	stream.indirect_vreg.gather [hbm4b:s6+s3], $0x80, v3, vm0, $0xb8;
	[tilespmem:$0x1E200] =	vst v63  }
0xf8: {  	s24 =	simm.s32 $0x7A00  }
0xf9: {  	[tilespmem:s24], [sflag:$0x1] =	stream.indirect_vreg.gather [hbm4b:s7+s3], $0x80, v3, vm0, $0xb8;
	[tilespmem:$0x1E200] =	vst v63  }
0xfa: {  	v3 =	vld [tilespmem:$0x98];
	_ =	sdelay $0x4  }
0xfb: {  	v40 =	vshll.u32 v3, $0x3  }
0xfc: {  	v3 =	vand.u32 $0x7, v3;
	v4 =	vand.u32 $0xFFFFFFC0, v40  }
0xfd: {  	v3 =	vor.u32 v3, v4  }
0xfe: {  	v4 =	vperm.xlane v3, v0;
	_ =	sdelay $0x1  }
0xff: {  	v4 =	vadd.s32 v1, v4;
	_ =	sdelay $0x3  }
0x100: {  	s11 =	simm.s32 $0x8200  }
0x101: {  	[tilespmem:s11], [sflag:$0x1] =	stream.indirect_vreg.gather [hbm4b:s2+s3], $0x80, v4, vm0, $0xb8;
	[tilespmem:$0x1E200] =	vst v63  }
0x102: {  	s12 =	simm.s32 $0x8A00;
	v3 =	vperm.xlane v3, v2  }
0x103: {  	[tilespmem:s12], [sflag:$0x1] =	stream.indirect_vreg.gather [hbm4b:s5+s3], $0x80, v4, vm0, $0xb8;
	[tilespmem:$0x1E200] =	vst v63  }
0x104: {  	v3 =	vadd.s32 v1, v3;
	s12 =	simm.s32 $0x9200  }
0x105: {  	[tilespmem:s12], [sflag:$0x1] =	stream.indirect_vreg.gather [hbm4b:s6+s3], $0x80, v4, vm0, $0xb8;
	[tilespmem:$0x1E200] =	vst v63  }
0x106: {  	s11 =	simm.s32 $0x9A00  }
0x107: {  	[tilespmem:s11], [sflag:$0x1] =	stream.indirect_vreg.gather [hbm4b:s7+s3], $0x80, v4, vm0, $0xb8;
	[tilespmem:$0x1E200] =	vst v63  }
0x108: {  	s12 =	simm.s32 $0xA200  }
0x109: {  	[tilespmem:s12], [sflag:$0x1] =	stream.indirect_vreg.gather [hbm4b:s2+s3], $0x80, v3, vm0, $0xb8;
	[tilespmem:$0x1E200] =	vst v63  }
0x10a: {  	s11 =	simm.s32 $0xAA00  }
0x10b: {  	[tilespmem:s11], [sflag:$0x1] =	stream.indirect_vreg.gather [hbm4b:s5+s3], $0x80, v3, vm0, $0xb8;
	[tilespmem:$0x1E200] =	vst v63  }
0x10c: {  	s12 =	simm.s32 $0xB200  }
0x10d: {  	[tilespmem:s12], [sflag:$0x1] =	stream.indirect_vreg.gather [hbm4b:s6+s3], $0x80, v3, vm0, $0xb8;
	[tilespmem:$0x1E200] =	vst v63  }
0x10e: {  	s13 =	simm.s32 $0xBA00  }
0x10f: {  	[tilespmem:s13], [sflag:$0x1] =	stream.indirect_vreg.gather [hbm4b:s7+s3], $0x80, v3, vm0, $0xb8;
	[tilespmem:$0x1E200] =	vst v63  }
0x110: {  	v3 =	vld.msk [tilespmem:$0xA8], $0xff;
	_ =	sdelay $0x4  }
0x111: {  	v41 =	vshll.u32 v3, $0x3  }
0x112: {  	v3 =	vand.u32 $0x7, v3;
	v4 =	vand.u32 $0xFFFFFFC0, v41  }
0x113: {  	v3 =	vor.u32 v3, v4  }
0x114: {  	v3 =	vperm.xlane v3, v0;
	_ =	sdelay $0x1  }
0x115: {  	v3 =	vadd.s32 v1, v3;
	_ =	sdelay $0x3  }
0x116: {  	s13 =	simm.s32 $0xC200  }
0x117: {  	[tilespmem:s13], [sflag:$0x1] =	stream.indirect_vreg.gather [hbm4b:s2+s3], $0x80, v3, vm0, $0xb8;
	[tilespmem:$0x1E200] =	vst v63  }
0x118: {  	s11 =	simm.s32 $0xCA00  }
0x119: {  	[tilespmem:s11], [sflag:$0x1] =	stream.indirect_vreg.gather [hbm4b:s5+s3], $0x80, v3, vm0, $0xb8;
	[tilespmem:$0x1E200] =	vst v63  }
0x11a: {  	s12 =	simm.s32 $0xD200  }
0x11b: {  	[tilespmem:s12], [sflag:$0x1] =	stream.indirect_vreg.gather [hbm4b:s6+s3], $0x80, v3, vm0, $0xb8;
	[tilespmem:$0x1E200] =	vst v63  }
0x11c: {  	s14 =	simm.s32 $0xDA00  }
0x11d: {  	[tilespmem:s14], [sflag:$0x1] =	stream.indirect_vreg.gather [hbm4b:s7+s3], $0x80, v3, vm0, $0xb8;
	[tilespmem:$0x1E200] =	vst v63  }
0x11e: {  	_ =	swait.ge [sflag:s28], $0x8000  }
0x11f: {  	[sflag:s28] =	ssyncset.done $0x0  }
0x120: {  	s13 =	rddreg [dreg:$0x6];
	[sflag:s28] =	ssyncadd.s32 $0xFFFF8000  }
0x121: {  	[hbm4b:s13+s3] =	stream.linear.scatter [tilespmem:s9], [sflag:$0x6], $0x8000, $0x38;
	[tilespmem:$0x1E200] =	vst v63  }
0x122: {  	_ =	swait.ge [sflag:s0], $0x8000  }
0x123: {  	[sflag:s0] =	ssyncset.done $0x0  }
0x124: {  	[sflag:s0] =	ssyncadd.s32 $0xFFFF8000  }
0x125: {  	v3 =	vld [tilespmem:$0xB0];
	_ =	sdelay $0x4  }
0x126: {  	v42 =	vshll.u32 v3, $0x3  }
0x127: {  	v3 =	vand.u32 $0x7, v3;
	v4 =	vand.u32 $0xFFFFFFC0, v42  }
0x128: {  	v3 =	vor.u32 v3, v4  }
0x129: {  	v4 =	vperm.xlane v3, v0;
	_ =	sdelay $0x1  }
0x12a: {  	v4 =	vadd.s32 v1, v4;
	_ =	sdelay $0x4  }
0x12b: {  	[tilespmem:s31], [sflag:$0x2] =	stream.indirect_vreg.gather [hbm4b:s2+s3], $0x80, v4, vm0, $0xb8;
	[tilespmem:$0x1E200] =	vst v63  }
0x12c: {  	s14 =	simm.s32 $0xEA00;
	v3 =	vperm.xlane v3, v2  }
0x12d: {  	[tilespmem:s14], [sflag:$0x2] =	stream.indirect_vreg.gather [hbm4b:s5+s3], $0x80, v4, vm0, $0xb8;
	[tilespmem:$0x1E200] =	vst v63  }
0x12e: {  	s11 =	simm.s32 $0xF200;
	v3 =	vadd.s32 v1, v3  }
0x12f: {  	[tilespmem:s11], [sflag:$0x2] =	stream.indirect_vreg.gather [hbm4b:s6+s3], $0x80, v4, vm0, $0xb8;
	[tilespmem:$0x1E200] =	vst v63  }
0x130: {  	s12 =	simm.s32 $0xFA00  }
0x131: {  	[tilespmem:s12], [sflag:$0x2] =	stream.indirect_vreg.gather [hbm4b:s7+s3], $0x80, v4, vm0, $0xb8;
	[tilespmem:$0x1E200] =	vst v63  }
0x132: {  	s13 =	simm.s32 $0x10200  }
0x133: {  	[tilespmem:s13], [sflag:$0x2] =	stream.indirect_vreg.gather [hbm4b:s2+s3], $0x80, v3, vm0, $0xb8;
	[tilespmem:$0x1E200] =	vst v63  }
0x134: {  	s14 =	simm.s32 $0x10A00  }
0x135: {  	[tilespmem:s14], [sflag:$0x2] =	stream.indirect_vreg.gather [hbm4b:s5+s3], $0x80, v3, vm0, $0xb8;
	[tilespmem:$0x1E200] =	vst v63  }
0x136: {  	s11 =	simm.s32 $0x11200  }
0x137: {  	[tilespmem:s11], [sflag:$0x2] =	stream.indirect_vreg.gather [hbm4b:s6+s3], $0x80, v3, vm0, $0xb8;
	[tilespmem:$0x1E200] =	vst v63  }
0x138: {  	s12 =	simm.s32 $0x11A00  }
0x139: {  	[tilespmem:s12], [sflag:$0x2] =	stream.indirect_vreg.gather [hbm4b:s7+s3], $0x80, v3, vm0, $0xb8;
	[tilespmem:$0x1E200] =	vst v63  }
0x13a: {  	v3 =	vld [tilespmem:$0xC0];
	_ =	sdelay $0x4  }
0x13b: {  	v43 =	vshll.u32 v3, $0x3  }
0x13c: {  	v3 =	vand.u32 $0x7, v3;
	v4 =	vand.u32 $0xFFFFFFC0, v43  }
0x13d: {  	v3 =	vor.u32 v3, v4  }
0x13e: {  	v4 =	vperm.xlane v3, v0;
	_ =	sdelay $0x1  }
0x13f: {  	v4 =	vadd.s32 v1, v4;
	_ =	sdelay $0x3  }
0x140: {  	s13 =	simm.s32 $0x12200  }
0x141: {  	[tilespmem:s13], [sflag:$0x2] =	stream.indirect_vreg.gather [hbm4b:s2+s3], $0x80, v4, vm0, $0xb8;
	[tilespmem:$0x1E200] =	vst v63  }
0x142: {  	s14 =	simm.s32 $0x12A00;
	v3 =	vperm.xlane v3, v2  }
0x143: {  	[tilespmem:s14], [sflag:$0x2] =	stream.indirect_vreg.gather [hbm4b:s5+s3], $0x80, v4, vm0, $0xb8;
	[tilespmem:$0x1E200] =	vst v63  }
0x144: {  	s11 =	simm.s32 $0x13200;
	v3 =	vadd.s32 v1, v3  }
0x145: {  	[tilespmem:s11], [sflag:$0x2] =	stream.indirect_vreg.gather [hbm4b:s6+s3], $0x80, v4, vm0, $0xb8;
	[tilespmem:$0x1E200] =	vst v63  }
0x146: {  	s12 =	simm.s32 $0x13A00  }
0x147: {  	[tilespmem:s12], [sflag:$0x2] =	stream.indirect_vreg.gather [hbm4b:s7+s3], $0x80, v4, vm0, $0xb8;
	[tilespmem:$0x1E200] =	vst v63  }
0x148: {  	s13 =	simm.s32 $0x14200  }
0x149: {  	[tilespmem:s13], [sflag:$0x2] =	stream.indirect_vreg.gather [hbm4b:s2+s3], $0x80, v3, vm0, $0xb8;
	[tilespmem:$0x1E200] =	vst v63  }
0x14a: {  	s14 =	simm.s32 $0x14A00  }
0x14b: {  	[tilespmem:s14], [sflag:$0x2] =	stream.indirect_vreg.gather [hbm4b:s5+s3], $0x80, v3, vm0, $0xb8;
	[tilespmem:$0x1E200] =	vst v63  }
0x14c: {  	s11 =	simm.s32 $0x15200  }
0x14d: {  	[tilespmem:s11], [sflag:$0x2] =	stream.indirect_vreg.gather [hbm4b:s6+s3], $0x80, v3, vm0, $0xb8;
	[tilespmem:$0x1E200] =	vst v63  }
0x14e: {  	s12 =	simm.s32 $0x15A00  }
0x14f: {  	[tilespmem:s12], [sflag:$0x2] =	stream.indirect_vreg.gather [hbm4b:s7+s3], $0x80, v3, vm0, $0xb8;
	[tilespmem:$0x1E200] =	vst v63  }
0x150: {  	_ =	swait.ge [sflag:s29], $0xE000  }
0x151: {  	[sflag:s29] =	ssyncset.done $0x0  }
0x152: {  	s13 =	rddreg [dreg:$0x7];
	[sflag:s29] =	ssyncadd.s32 $0xFFFF2000  }
0x153: {  	[hbm4b:s13+s3] =	stream.linear.scatter [tilespmem:s25], [sflag:$0x4], $0xE000, $0x38;
	[tilespmem:$0x1E200] =	vst v63  }
0x154: {  	_ =	swait.ge [sflag:s1], $0x8000  }
0x155: {  	[sflag:s1] =	ssyncset.done $0x0  }
0x156: {  	[sflag:s1] =	ssyncadd.s32 $0xFFFF8000  }
0x157: {  	v3 =	vld [tilespmem:$0xD0];
	_ =	sdelay $0x4  }
0x158: {  	v44 =	vshll.u32 v3, $0x3  }
0x159: {  	v3 =	vand.u32 $0x7, v3;
	v4 =	vand.u32 $0xFFFFFFC0, v44  }
0x15a: {  	v3 =	vor.u32 v3, v4  }
0x15b: {  	v4 =	vperm.xlane v3, v0;
	_ =	sdelay $0x1  }
0x15c: {  	v4 =	vadd.s32 v1, v4;
	_ =	sdelay $0x4  }
0x15d: {  	[tilespmem:s9], [sflag:$0x3] =	stream.indirect_vreg.gather [hbm4b:s2+s3], $0x80, v4, vm0, $0xb8;
	[tilespmem:$0x1E200] =	vst v63  }
0x15e: {  	s14 =	simm.s32 $0x16A00;
	v3 =	vperm.xlane v3, v2  }
0x15f: {  	[tilespmem:s14], [sflag:$0x3] =	stream.indirect_vreg.gather [hbm4b:s5+s3], $0x80, v4, vm0, $0xb8;
	[tilespmem:$0x1E200] =	vst v63  }
0x160: {  	s11 =	simm.s32 $0x17200;
	v3 =	vadd.s32 v1, v3  }
0x161: {  	[tilespmem:s11], [sflag:$0x3] =	stream.indirect_vreg.gather [hbm4b:s6+s3], $0x80, v4, vm0, $0xb8;
	[tilespmem:$0x1E200] =	vst v63  }
0x162: {  	s12 =	simm.s32 $0x17A00  }
0x163: {  	[tilespmem:s12], [sflag:$0x3] =	stream.indirect_vreg.gather [hbm4b:s7+s3], $0x80, v4, vm0, $0xb8;
	[tilespmem:$0x1E200] =	vst v63  }
0x164: {  	s13 =	simm.s32 $0x18200  }
0x165: {  	[tilespmem:s13], [sflag:$0x3] =	stream.indirect_vreg.gather [hbm4b:s2+s3], $0x80, v3, vm0, $0xb8;
	[tilespmem:$0x1E200] =	vst v63  }
0x166: {  	s14 =	simm.s32 $0x18A00  }
0x167: {  	[tilespmem:s14], [sflag:$0x3] =	stream.indirect_vreg.gather [hbm4b:s5+s3], $0x80, v3, vm0, $0xb8;
	[tilespmem:$0x1E200] =	vst v63  }
0x168: {  	s4 =	simm.s32 $0x19200  }
0x169: {  	[tilespmem:s4], [sflag:$0x3] =	stream.indirect_vreg.gather [hbm4b:s6+s3], $0x80, v3, vm0, $0xb8;
	[tilespmem:$0x1E200] =	vst v63  }
0x16a: {  	s4 =	simm.s32 $0x19A00  }
0x16b: {  	[tilespmem:s4], [sflag:$0x3] =	stream.indirect_vreg.gather [hbm4b:s7+s3], $0x80, v3, vm0, $0xb8;
	[tilespmem:$0x1E200] =	vst v63  }
0x16c: {  	v3 =	vld [tilespmem:$0xE0];
	_ =	sdelay $0x4  }
0x16d: {  	v45 =	vshll.u32 v3, $0x3  }
0x16e: {  	v3 =	vand.u32 $0x7, v3;
	v4 =	vand.u32 $0xFFFFFFC0, v45  }
0x16f: {  	v3 =	vor.u32 v3, v4  }
0x170: {  	v4 =	vperm.xlane v3, v0;
	_ =	sdelay $0x1  }
0x171: {  	v4 =	vadd.s32 v1, v4;
	_ =	sdelay $0x3  }
0x172: {  	s4 =	simm.s32 $0x1A200  }
0x173: {  	[tilespmem:s4], [sflag:$0x3] =	stream.indirect_vreg.gather [hbm4b:s2+s3], $0x80, v4, vm0, $0xb8;
	[tilespmem:$0x1E200] =	vst v63  }
0x174: {  	v3 =	vperm.xlane v3, v2;
	s4 =	simm.s32 $0x1AA00  }
0x175: {  	[tilespmem:s4], [sflag:$0x3] =	stream.indirect_vreg.gather [hbm4b:s5+s3], $0x80, v4, vm0, $0xb8;
	[tilespmem:$0x1E200] =	vst v63  }
0x176: {  	v3 =	vadd.s32 v1, v3;
	s4 =	simm.s32 $0x1B200  }
0x177: {  	[tilespmem:s4], [sflag:$0x3] =	stream.indirect_vreg.gather [hbm4b:s6+s3], $0x80, v4, vm0, $0xb8;
	[tilespmem:$0x1E200] =	vst v63  }
0x178: {  	s4 =	simm.s32 $0x1BA00  }
0x179: {  	[tilespmem:s4], [sflag:$0x3] =	stream.indirect_vreg.gather [hbm4b:s7+s3], $0x80, v4, vm0, $0xb8;
	[tilespmem:$0x1E200] =	vst v63  }
0x17a: {  	s4 =	simm.s32 $0x1C200  }
0x17b: {  	[tilespmem:s4], [sflag:$0x3] =	stream.indirect_vreg.gather [hbm4b:s2+s3], $0x80, v3, vm0, $0xb8;
	[tilespmem:$0x1E200] =	vst v63  }
0x17c: {  	s4 =	simm.s32 $0x1CA00  }
0x17d: {  	[tilespmem:s4], [sflag:$0x3] =	stream.indirect_vreg.gather [hbm4b:s5+s3], $0x80, v3, vm0, $0xb8;
	[tilespmem:$0x1E200] =	vst v63  }
0x17e: {  	s4 =	simm.s32 $0x1D200  }
0x17f: {  	[tilespmem:s4], [sflag:$0x3] =	stream.indirect_vreg.gather [hbm4b:s6+s3], $0x80, v3, vm0, $0xb8;
	[tilespmem:$0x1E200] =	vst v63  }
0x180: {  	s4 =	simm.s32 $0x1DA00  }
0x181: {  	[tilespmem:s4], [sflag:$0x3] =	stream.indirect_vreg.gather [hbm4b:s7+s3], $0x80, v3, vm0, $0xb8;
	[tilespmem:$0x1E200] =	vst v63  }
0x182: {  	_ =	swait.ge [sflag:s10], $0x8000  }
0x183: {  	[sflag:s10] =	ssyncset.done $0x0  }
0x184: {  	s4 =	rddreg [dreg:$0x8];
	[sflag:s10] =	ssyncadd.s32 $0xFFFF8000  }
0x185: {  	[hbm4b:s4+s3] =	stream.linear.scatter [tilespmem:s31], [sflag:$0x5], $0x8000, $0x38;
	[tilespmem:$0x1E200] =	vst v63  }
0x186: {  	_ =	swait.ge [sflag:s26], $0xE000  }
0x187: {  	[sflag:s26] =	ssyncset.done $0x0  }
0x188: {  	[sflag:s26] =	ssyncadd.s32 $0xFFFF2000  }
0x189: {  	v3 =	vld [tilespmem:$0xF0];
	_ =	sdelay $0x4  }
0x18a: {  	v46 =	vshll.u32 v3, $0x3  }
0x18b: {  	v3 =	vand.u32 $0x7, v3;
	v4 =	vand.u32 $0xFFFFFFC0, v46  }
0x18c: {  	v3 =	vor.u32 v3, v4  }
0x18d: {  	v4 =	vperm.xlane v3, v0;
	_ =	sdelay $0x1  }
0x18e: {  	v4 =	vadd.s32 v1, v4;
	_ =	sdelay $0x4  }
0x18f: {  	[tilespmem:s25], [sflag:$0x1] =	stream.indirect_vreg.gather [hbm4b:s2+s3], $0x80, v4, vm0, $0xb8;
	[tilespmem:$0x1E200] =	vst v63  }
0x190: {  	s30 =	simm.s32 $0xA00;
	v3 =	vperm.xlane v3, v2  }
0x191: {  	[tilespmem:s30], [sflag:$0x1] =	stream.indirect_vreg.gather [hbm4b:s5+s3], $0x80, v4, vm0, $0xb8;
	[tilespmem:$0x1E200] =	vst v63  }
0x192: {  	v3 =	vadd.s32 v1, v3;
	s30 =	simm.s32 $0x1200  }
0x193: {  	[tilespmem:s30], [sflag:$0x1] =	stream.indirect_vreg.gather [hbm4b:s6+s3], $0x80, v4, vm0, $0xb8;
	[tilespmem:$0x1E200] =	vst v63  }
0x194: {  	s4 =	simm.s32 $0x1A00  }
0x195: {  	[tilespmem:s4], [sflag:$0x1] =	stream.indirect_vreg.gather [hbm4b:s7+s3], $0x80, v4, vm0, $0xb8;
	[tilespmem:$0x1E200] =	vst v63  }
0x196: {  	s4 =	simm.s32 $0x2200  }
0x197: {  	[tilespmem:s4], [sflag:$0x1] =	stream.indirect_vreg.gather [hbm4b:s2+s3], $0x80, v3, vm0, $0xb8;
	[tilespmem:$0x1E200] =	vst v63  }
0x198: {  	s4 =	simm.s32 $0x2A00  }
0x199: {  	[tilespmem:s4], [sflag:$0x1] =	stream.indirect_vreg.gather [hbm4b:s5+s3], $0x80, v3, vm0, $0xb8;
	[tilespmem:$0x1E200] =	vst v63  }
0x19a: {  	s15 =	simm.s32 $0x3200  }
0x19b: {  	[tilespmem:s15], [sflag:$0x1] =	stream.indirect_vreg.gather [hbm4b:s6+s3], $0x80, v3, vm0, $0xb8;
	[tilespmem:$0x1E200] =	vst v63  }
0x19c: {  	s21 =	simm.s32 $0x3A00  }
0x19d: {  	[tilespmem:s21], [sflag:$0x1] =	stream.indirect_vreg.gather [hbm4b:s7+s3], $0x80, v3, vm0, $0xb8;
	[tilespmem:$0x1E200] =	vst v63  }
0x19e: {  	v3 =	vld [tilespmem:$0x100];
	_ =	sdelay $0x4  }
0x19f: {  	v47 =	vshll.u32 v3, $0x3  }
0x1a0: {  	v3 =	vand.u32 $0x7, v3;
	v4 =	vand.u32 $0xFFFFFFC0, v47  }
0x1a1: {  	v3 =	vor.u32 v3, v4  }
0x1a2: {  	v4 =	vperm.xlane v3, v0;
	_ =	sdelay $0x1  }
0x1a3: {  	v4 =	vadd.s32 v1, v4;
	_ =	sdelay $0x3  }
0x1a4: {  	s22 =	simm.s32 $0x4200  }
0x1a5: {  	[tilespmem:s22], [sflag:$0x1] =	stream.indirect_vreg.gather [hbm4b:s2+s3], $0x80, v4, vm0, $0xb8;
	[tilespmem:$0x1E200] =	vst v63  }
0x1a6: {  	s23 =	simm.s32 $0x4A00;
	v3 =	vperm.xlane v3, v2  }
0x1a7: {  	[tilespmem:s23], [sflag:$0x1] =	stream.indirect_vreg.gather [hbm4b:s5+s3], $0x80, v4, vm0, $0xb8;
	[tilespmem:$0x1E200] =	vst v63  }
0x1a8: {  	s16 =	simm.s32 $0x5200;
	v3 =	vadd.s32 v1, v3  }
0x1a9: {  	[tilespmem:s16], [sflag:$0x1] =	stream.indirect_vreg.gather [hbm4b:s6+s3], $0x80, v4, vm0, $0xb8;
	[tilespmem:$0x1E200] =	vst v63  }
0x1aa: {  	s17 =	simm.s32 $0x5A00  }
0x1ab: {  	[tilespmem:s17], [sflag:$0x1] =	stream.indirect_vreg.gather [hbm4b:s7+s3], $0x80, v4, vm0, $0xb8;
	[tilespmem:$0x1E200] =	vst v63  }
0x1ac: {  	s18 =	simm.s32 $0x6200  }
0x1ad: {  	[tilespmem:s18], [sflag:$0x1] =	stream.indirect_vreg.gather [hbm4b:s2+s3], $0x80, v3, vm0, $0xb8;
	[tilespmem:$0x1E200] =	vst v63  }
0x1ae: {  	s19 =	simm.s32 $0x6A00  }
0x1af: {  	[tilespmem:s19], [sflag:$0x1] =	stream.indirect_vreg.gather [hbm4b:s5+s3], $0x80, v3, vm0, $0xb8;
	[tilespmem:$0x1E200] =	vst v63  }
0x1b0: {  	s20 =	simm.s32 $0x7200  }
0x1b1: {  	[tilespmem:s20], [sflag:$0x1] =	stream.indirect_vreg.gather [hbm4b:s6+s3], $0x80, v3, vm0, $0xb8;
	[tilespmem:$0x1E200] =	vst v63  }
0x1b2: {  	s24 =	simm.s32 $0x7A00  }
0x1b3: {  	[tilespmem:s24], [sflag:$0x1] =	stream.indirect_vreg.gather [hbm4b:s7+s3], $0x80, v3, vm0, $0xb8;
	[tilespmem:$0x1E200] =	vst v63  }
0x1b4: {  	v3 =	vld [tilespmem:$0x110];
	_ =	sdelay $0x4  }
0x1b5: {  	v48 =	vshll.u32 v3, $0x3  }
0x1b6: {  	v3 =	vand.u32 $0x7, v3;
	v4 =	vand.u32 $0xFFFFFFC0, v48  }
0x1b7: {  	v3 =	vor.u32 v3, v4  }
0x1b8: {  	v4 =	vperm.xlane v3, v0;
	_ =	sdelay $0x1  }
0x1b9: {  	v4 =	vadd.s32 v1, v4;
	_ =	sdelay $0x3  }
0x1ba: {  	s20 =	simm.s32 $0x8200  }
0x1bb: {  	[tilespmem:s20], [sflag:$0x1] =	stream.indirect_vreg.gather [hbm4b:s2+s3], $0x80, v4, vm0, $0xb8;
	[tilespmem:$0x1E200] =	vst v63  }
0x1bc: {  	s21 =	simm.s32 $0x8A00;
	v3 =	vperm.xlane v3, v2  }
0x1bd: {  	[tilespmem:s21], [sflag:$0x1] =	stream.indirect_vreg.gather [hbm4b:s5+s3], $0x80, v4, vm0, $0xb8;
	[tilespmem:$0x1E200] =	vst v63  }
0x1be: {  	s22 =	simm.s32 $0x9200;
	v3 =	vadd.s32 v1, v3  }
0x1bf: {  	[tilespmem:s22], [sflag:$0x1] =	stream.indirect_vreg.gather [hbm4b:s6+s3], $0x80, v4, vm0, $0xb8;
	[tilespmem:$0x1E200] =	vst v63  }
0x1c0: {  	s23 =	simm.s32 $0x9A00  }
0x1c1: {  	[tilespmem:s23], [sflag:$0x1] =	stream.indirect_vreg.gather [hbm4b:s7+s3], $0x80, v4, vm0, $0xb8;
	[tilespmem:$0x1E200] =	vst v63  }
0x1c2: {  	s24 =	simm.s32 $0xA200  }
0x1c3: {  	[tilespmem:s24], [sflag:$0x1] =	stream.indirect_vreg.gather [hbm4b:s2+s3], $0x80, v3, vm0, $0xb8;
	[tilespmem:$0x1E200] =	vst v63  }
0x1c4: {  	s15 =	simm.s32 $0xAA00  }
0x1c5: {  	[tilespmem:s15], [sflag:$0x1] =	stream.indirect_vreg.gather [hbm4b:s5+s3], $0x80, v3, vm0, $0xb8;
	[tilespmem:$0x1E200] =	vst v63  }
0x1c6: {  	s16 =	simm.s32 $0xB200  }
0x1c7: {  	[tilespmem:s16], [sflag:$0x1] =	stream.indirect_vreg.gather [hbm4b:s6+s3], $0x80, v3, vm0, $0xb8;
	[tilespmem:$0x1E200] =	vst v63  }
0x1c8: {  	s17 =	simm.s32 $0xBA00  }
0x1c9: {  	[tilespmem:s17], [sflag:$0x1] =	stream.indirect_vreg.gather [hbm4b:s7+s3], $0x80, v3, vm0, $0xb8;
	[tilespmem:$0x1E200] =	vst v63  }
0x1ca: {  	v3 =	vld.msk [tilespmem:$0x120], $0xff;
	_ =	sdelay $0x4  }
0x1cb: {  	v49 =	vshll.u32 v3, $0x3  }
0x1cc: {  	v3 =	vand.u32 $0x7, v3;
	v4 =	vand.u32 $0xFFFFFFC0, v49  }
0x1cd: {  	v3 =	vor.u32 v3, v4  }
0x1ce: {  	v3 =	vperm.xlane v3, v0;
	_ =	sdelay $0x1  }
0x1cf: {  	v3 =	vadd.s32 v1, v3;
	_ =	sdelay $0x3  }
0x1d0: {  	s18 =	simm.s32 $0xC200  }
0x1d1: {  	[tilespmem:s18], [sflag:$0x1] =	stream.indirect_vreg.gather [hbm4b:s2+s3], $0x80, v3, vm0, $0xb8;
	[tilespmem:$0x1E200] =	vst v63  }
0x1d2: {  	s19 =	simm.s32 $0xCA00  }
0x1d3: {  	[tilespmem:s19], [sflag:$0x1] =	stream.indirect_vreg.gather [hbm4b:s5+s3], $0x80, v3, vm0, $0xb8;
	[tilespmem:$0x1E200] =	vst v63  }
0x1d4: {  	s20 =	simm.s32 $0xD200  }
0x1d5: {  	[tilespmem:s20], [sflag:$0x1] =	stream.indirect_vreg.gather [hbm4b:s6+s3], $0x80, v3, vm0, $0xb8;
	[tilespmem:$0x1E200] =	vst v63  }
0x1d6: {  	s21 =	simm.s32 $0xDA00  }
0x1d7: {  	[tilespmem:s21], [sflag:$0x1] =	stream.indirect_vreg.gather [hbm4b:s7+s3], $0x80, v3, vm0, $0xb8;
	[tilespmem:$0x1E200] =	vst v63  }
0x1d8: {  	_ =	swait.ge [sflag:s28], $0x8000  }
0x1d9: {  	[sflag:s28] =	ssyncset.done $0x0  }
0x1da: {  	s22 =	rddreg [dreg:$0x9];
	[sflag:s28] =	ssyncadd.s32 $0xFFFF8000  }
0x1db: {  	[hbm4b:s22+s3] =	stream.linear.scatter [tilespmem:s9], [sflag:$0x6], $0x8000, $0x38;
	[tilespmem:$0x1E200] =	vst v63  }
0x1dc: {  	_ =	swait.ge [sflag:s0], $0x8000  }
0x1dd: {  	[sflag:s0] =	ssyncset.done $0x0  }
0x1de: {  	[sflag:s0] =	ssyncadd.s32 $0xFFFF8000  }
0x1df: {  	v3 =	vld [tilespmem:$0x128];
	_ =	sdelay $0x4  }
0x1e0: {  	v50 =	vshll.u32 v3, $0x3  }
0x1e1: {  	v3 =	vand.u32 $0x7, v3;
	v4 =	vand.u32 $0xFFFFFFC0, v50  }
0x1e2: {  	v3 =	vor.u32 v3, v4  }
0x1e3: {  	v4 =	vperm.xlane v3, v0;
	_ =	sdelay $0x1  }
0x1e4: {  	v4 =	vadd.s32 v1, v4;
	_ =	sdelay $0x4  }
0x1e5: {  	[tilespmem:s31], [sflag:$0x2] =	stream.indirect_vreg.gather [hbm4b:s2+s3], $0x80, v4, vm0, $0xb8;
	[tilespmem:$0x1E200] =	vst v63  }
0x1e6: {  	s23 =	simm.s32 $0xEA00;
	v3 =	vperm.xlane v3, v2  }
0x1e7: {  	[tilespmem:s23], [sflag:$0x2] =	stream.indirect_vreg.gather [hbm4b:s5+s3], $0x80, v4, vm0, $0xb8;
	[tilespmem:$0x1E200] =	vst v63  }
0x1e8: {  	s24 =	simm.s32 $0xF200;
	v3 =	vadd.s32 v1, v3  }
0x1e9: {  	[tilespmem:s24], [sflag:$0x2] =	stream.indirect_vreg.gather [hbm4b:s6+s3], $0x80, v4, vm0, $0xb8;
	[tilespmem:$0x1E200] =	vst v63  }
0x1ea: {  	s15 =	simm.s32 $0xFA00  }
0x1eb: {  	[tilespmem:s15], [sflag:$0x2] =	stream.indirect_vreg.gather [hbm4b:s7+s3], $0x80, v4, vm0, $0xb8;
	[tilespmem:$0x1E200] =	vst v63  }
0x1ec: {  	s16 =	simm.s32 $0x10200  }
0x1ed: {  	[tilespmem:s16], [sflag:$0x2] =	stream.indirect_vreg.gather [hbm4b:s2+s3], $0x80, v3, vm0, $0xb8;
	[tilespmem:$0x1E200] =	vst v63  }
0x1ee: {  	s17 =	simm.s32 $0x10A00  }
0x1ef: {  	[tilespmem:s17], [sflag:$0x2] =	stream.indirect_vreg.gather [hbm4b:s5+s3], $0x80, v3, vm0, $0xb8;
	[tilespmem:$0x1E200] =	vst v63  }
0x1f0: {  	s18 =	simm.s32 $0x11200  }
0x1f1: {  	[tilespmem:s18], [sflag:$0x2] =	stream.indirect_vreg.gather [hbm4b:s6+s3], $0x80, v3, vm0, $0xb8;
	[tilespmem:$0x1E200] =	vst v63  }
0x1f2: {  	s19 =	simm.s32 $0x11A00  }
0x1f3: {  	[tilespmem:s19], [sflag:$0x2] =	stream.indirect_vreg.gather [hbm4b:s7+s3], $0x80, v3, vm0, $0xb8;
	[tilespmem:$0x1E200] =	vst v63  }
0x1f4: {  	v3 =	vld [tilespmem:$0x138];
	_ =	sdelay $0x4  }
0x1f5: {  	v51 =	vshll.u32 v3, $0x3  }
0x1f6: {  	v3 =	vand.u32 $0x7, v3;
	v4 =	vand.u32 $0xFFFFFFC0, v51  }
0x1f7: {  	v3 =	vor.u32 v3, v4  }
0x1f8: {  	v4 =	vperm.xlane v3, v0;
	_ =	sdelay $0x1  }
0x1f9: {  	v4 =	vadd.s32 v1, v4;
	_ =	sdelay $0x3  }
0x1fa: {  	s20 =	simm.s32 $0x12200  }
0x1fb: {  	[tilespmem:s20], [sflag:$0x2] =	stream.indirect_vreg.gather [hbm4b:s2+s3], $0x80, v4, vm0, $0xb8;
	[tilespmem:$0x1E200] =	vst v63  }
0x1fc: {  	s21 =	simm.s32 $0x12A00;
	v3 =	vperm.xlane v3, v2  }
0x1fd: {  	[tilespmem:s21], [sflag:$0x2] =	stream.indirect_vreg.gather [hbm4b:s5+s3], $0x80, v4, vm0, $0xb8;
	[tilespmem:$0x1E200] =	vst v63  }
0x1fe: {  	s22 =	simm.s32 $0x13200;
	v3 =	vadd.s32 v1, v3  }
0x1ff: {  	[tilespmem:s22], [sflag:$0x2] =	stream.indirect_vreg.gather [hbm4b:s6+s3], $0x80, v4, vm0, $0xb8;
	[tilespmem:$0x1E200] =	vst v63  }
0x200: {  	s23 =	simm.s32 $0x13A00  }
0x201: {  	[tilespmem:s23], [sflag:$0x2] =	stream.indirect_vreg.gather [hbm4b:s7+s3], $0x80, v4, vm0, $0xb8;
	[tilespmem:$0x1E200] =	vst v63  }
0x202: {  	s24 =	simm.s32 $0x14200  }
0x203: {  	[tilespmem:s24], [sflag:$0x2] =	stream.indirect_vreg.gather [hbm4b:s2+s3], $0x80, v3, vm0, $0xb8;
	[tilespmem:$0x1E200] =	vst v63  }
0x204: {  	s15 =	simm.s32 $0x14A00  }
0x205: {  	[tilespmem:s15], [sflag:$0x2] =	stream.indirect_vreg.gather [hbm4b:s5+s3], $0x80, v3, vm0, $0xb8;
	[tilespmem:$0x1E200] =	vst v63  }
0x206: {  	s16 =	simm.s32 $0x15200  }
0x207: {  	[tilespmem:s16], [sflag:$0x2] =	stream.indirect_vreg.gather [hbm4b:s6+s3], $0x80, v3, vm0, $0xb8;
	[tilespmem:$0x1E200] =	vst v63  }
0x208: {  	s17 =	simm.s32 $0x15A00  }
0x209: {  	[tilespmem:s17], [sflag:$0x2] =	stream.indirect_vreg.gather [hbm4b:s7+s3], $0x80, v3, vm0, $0xb8;
	[tilespmem:$0x1E200] =	vst v63  }
0x20a: {  	_ =	swait.ge [sflag:s29], $0xE000  }
0x20b: {  	[sflag:s29] =	ssyncset.done $0x0  }
0x20c: {  	s18 =	rddreg [dreg:$0xa];
	[sflag:s29] =	ssyncadd.s32 $0xFFFF2000  }
0x20d: {  	[hbm4b:s18+s3] =	stream.linear.scatter [tilespmem:s25], [sflag:$0x4], $0xE000, $0x38;
	[tilespmem:$0x1E200] =	vst v63  }
0x20e: {  	_ =	swait.ge [sflag:s1], $0x8000  }
0x20f: {  	[sflag:s1] =	ssyncset.done $0x0  }
0x210: {  	[sflag:s1] =	ssyncadd.s32 $0xFFFF8000  }
0x211: {  	v3 =	vld [tilespmem:$0x148];
	_ =	sdelay $0x4  }
0x212: {  	v52 =	vshll.u32 v3, $0x3  }
0x213: {  	v3 =	vand.u32 $0x7, v3;
	v4 =	vand.u32 $0xFFFFFFC0, v52  }
0x214: {  	v3 =	vor.u32 v3, v4  }
0x215: {  	v4 =	vperm.xlane v3, v0;
	_ =	sdelay $0x1  }
0x216: {  	v4 =	vadd.s32 v1, v4;
	_ =	sdelay $0x4  }
0x217: {  	[tilespmem:s9], [sflag:$0x3] =	stream.indirect_vreg.gather [hbm4b:s2+s3], $0x80, v4, vm0, $0xb8;
	[tilespmem:$0x1E200] =	vst v63  }
0x218: {  	s19 =	simm.s32 $0x16A00;
	v3 =	vperm.xlane v3, v2  }
0x219: {  	[tilespmem:s19], [sflag:$0x3] =	stream.indirect_vreg.gather [hbm4b:s5+s3], $0x80, v4, vm0, $0xb8;
	[tilespmem:$0x1E200] =	vst v63  }
0x21a: {  	s11 =	simm.s32 $0x17200;
	v3 =	vadd.s32 v1, v3  }
0x21b: {  	[tilespmem:s11], [sflag:$0x3] =	stream.indirect_vreg.gather [hbm4b:s6+s3], $0x80, v4, vm0, $0xb8;
	[tilespmem:$0x1E200] =	vst v63  }
0x21c: {  	s12 =	simm.s32 $0x17A00  }
0x21d: {  	[tilespmem:s12], [sflag:$0x3] =	stream.indirect_vreg.gather [hbm4b:s7+s3], $0x80, v4, vm0, $0xb8;
	[tilespmem:$0x1E200] =	vst v63  }
0x21e: {  	s13 =	simm.s32 $0x18200  }
0x21f: {  	[tilespmem:s13], [sflag:$0x3] =	stream.indirect_vreg.gather [hbm4b:s2+s3], $0x80, v3, vm0, $0xb8;
	[tilespmem:$0x1E200] =	vst v63  }
0x220: {  	s14 =	simm.s32 $0x18A00  }
0x221: {  	[tilespmem:s14], [sflag:$0x3] =	stream.indirect_vreg.gather [hbm4b:s5+s3], $0x80, v3, vm0, $0xb8;
	[tilespmem:$0x1E200] =	vst v63  }
0x222: {  	s20 =	simm.s32 $0x19200  }
0x223: {  	[tilespmem:s20], [sflag:$0x3] =	stream.indirect_vreg.gather [hbm4b:s6+s3], $0x80, v3, vm0, $0xb8;
	[tilespmem:$0x1E200] =	vst v63  }
0x224: {  	s21 =	simm.s32 $0x19A00  }
0x225: {  	[tilespmem:s21], [sflag:$0x3] =	stream.indirect_vreg.gather [hbm4b:s7+s3], $0x80, v3, vm0, $0xb8;
	[tilespmem:$0x1E200] =	vst v63  }
0x226: {  	v3 =	vld [tilespmem:$0x158];
	_ =	sdelay $0x4  }
0x227: {  	v53 =	vshll.u32 v3, $0x3  }
0x228: {  	v3 =	vand.u32 $0x7, v3;
	v4 =	vand.u32 $0xFFFFFFC0, v53  }
0x229: {  	v3 =	vor.u32 v3, v4  }
0x22a: {  	v4 =	vperm.xlane v3, v0;
	_ =	sdelay $0x1  }
0x22b: {  	v4 =	vadd.s32 v1, v4;
	_ =	sdelay $0x3  }
0x22c: {  	s22 =	simm.s32 $0x1A200  }
0x22d: {  	[tilespmem:s22], [sflag:$0x3] =	stream.indirect_vreg.gather [hbm4b:s2+s3], $0x80, v4, vm0, $0xb8;
	[tilespmem:$0x1E200] =	vst v63  }
0x22e: {  	s24 =	simm.s32 $0x1AA00;
	v3 =	vperm.xlane v3, v2  }
0x22f: {  	[tilespmem:s24], [sflag:$0x3] =	stream.indirect_vreg.gather [hbm4b:s5+s3], $0x80, v4, vm0, $0xb8;
	[tilespmem:$0x1E200] =	vst v63  }
0x230: {  	s15 =	simm.s32 $0x1B200;
	v3 =	vadd.s32 v1, v3  }
0x231: {  	[tilespmem:s15], [sflag:$0x3] =	stream.indirect_vreg.gather [hbm4b:s6+s3], $0x80, v4, vm0, $0xb8;
	[tilespmem:$0x1E200] =	vst v63  }
0x232: {  	s16 =	simm.s32 $0x1BA00  }
0x233: {  	[tilespmem:s16], [sflag:$0x3] =	stream.indirect_vreg.gather [hbm4b:s7+s3], $0x80, v4, vm0, $0xb8;
	[tilespmem:$0x1E200] =	vst v63  }
0x234: {  	s17 =	simm.s32 $0x1C200  }
0x235: {  	[tilespmem:s17], [sflag:$0x3] =	stream.indirect_vreg.gather [hbm4b:s2+s3], $0x80, v3, vm0, $0xb8;
	[tilespmem:$0x1E200] =	vst v63  }
0x236: {  	s18 =	simm.s32 $0x1CA00  }
0x237: {  	[tilespmem:s18], [sflag:$0x3] =	stream.indirect_vreg.gather [hbm4b:s5+s3], $0x80, v3, vm0, $0xb8;
	[tilespmem:$0x1E200] =	vst v63  }
0x238: {  	s19 =	simm.s32 $0x1D200  }
0x239: {  	[tilespmem:s19], [sflag:$0x3] =	stream.indirect_vreg.gather [hbm4b:s6+s3], $0x80, v3, vm0, $0xb8;
	[tilespmem:$0x1E200] =	vst v63  }
0x23a: {  	s20 =	simm.s32 $0x1DA00  }
0x23b: {  	[tilespmem:s20], [sflag:$0x3] =	stream.indirect_vreg.gather [hbm4b:s7+s3], $0x80, v3, vm0, $0xb8;
	[tilespmem:$0x1E200] =	vst v63  }
0x23c: {  	_ =	swait.ge [sflag:s10], $0x8000  }
0x23d: {  	[sflag:s10] =	ssyncset.done $0x0  }
0x23e: {  	s21 =	rddreg [dreg:$0xb];
	[sflag:s10] =	ssyncadd.s32 $0xFFFF8000  }
0x23f: {  	[hbm4b:s21+s3] =	stream.linear.scatter [tilespmem:s31], [sflag:$0x5], $0x8000, $0x38;
	[tilespmem:$0x1E200] =	vst v63  }
0x240: {  	_ =	swait.ge [sflag:s26], $0xE000  }
0x241: {  	[sflag:s26] =	ssyncset.done $0x0  }
0x242: {  	[sflag:s26] =	ssyncadd.s32 $0xFFFF2000  }
0x243: {  	v3 =	vld [tilespmem:$0x168];
	_ =	sdelay $0x4  }
0x244: {  	v54 =	vshll.u32 v3, $0x3  }
0x245: {  	v3 =	vand.u32 $0x7, v3;
	v4 =	vand.u32 $0xFFFFFFC0, v54  }
0x246: {  	v3 =	vor.u32 v3, v4  }
0x247: {  	v4 =	vperm.xlane v3, v0;
	_ =	sdelay $0x1  }
0x248: {  	v4 =	vadd.s32 v1, v4;
	_ =	sdelay $0x4  }
0x249: {  	[tilespmem:s25], [sflag:$0x1] =	stream.indirect_vreg.gather [hbm4b:s2+s3], $0x80, v4, vm0, $0xb8;
	[tilespmem:$0x1E200] =	vst v63  }
0x24a: {  	s22 =	simm.s32 $0xA00;
	v3 =	vperm.xlane v3, v2  }
0x24b: {  	[tilespmem:s22], [sflag:$0x1] =	stream.indirect_vreg.gather [hbm4b:s5+s3], $0x80, v4, vm0, $0xb8;
	[tilespmem:$0x1E200] =	vst v63  }
0x24c: {  	s30 =	simm.s32 $0x1200;
	v3 =	vadd.s32 v1, v3  }
0x24d: {  	[tilespmem:s30], [sflag:$0x1] =	stream.indirect_vreg.gather [hbm4b:s6+s3], $0x80, v4, vm0, $0xb8;
	[tilespmem:$0x1E200] =	vst v63  }
0x24e: {  	s30 =	simm.s32 $0x1A00  }
0x24f: {  	[tilespmem:s30], [sflag:$0x1] =	stream.indirect_vreg.gather [hbm4b:s7+s3], $0x80, v4, vm0, $0xb8;
	[tilespmem:$0x1E200] =	vst v63  }
0x250: {  	s20 =	simm.s32 $0x2200  }
0x251: {  	[tilespmem:s20], [sflag:$0x1] =	stream.indirect_vreg.gather [hbm4b:s2+s3], $0x80, v3, vm0, $0xb8;
	[tilespmem:$0x1E200] =	vst v63  }
0x252: {  	s21 =	simm.s32 $0x2A00  }
0x253: {  	[tilespmem:s21], [sflag:$0x1] =	stream.indirect_vreg.gather [hbm4b:s5+s3], $0x80, v3, vm0, $0xb8;
	[tilespmem:$0x1E200] =	vst v63  }
0x254: {  	s22 =	simm.s32 $0x3200  }
0x255: {  	[tilespmem:s22], [sflag:$0x1] =	stream.indirect_vreg.gather [hbm4b:s6+s3], $0x80, v3, vm0, $0xb8;
	[tilespmem:$0x1E200] =	vst v63  }
0x256: {  	s4 =	simm.s32 $0x3A00  }
0x257: {  	[tilespmem:s4], [sflag:$0x1] =	stream.indirect_vreg.gather [hbm4b:s7+s3], $0x80, v3, vm0, $0xb8;
	[tilespmem:$0x1E200] =	vst v63  }
0x258: {  	v3 =	vld [tilespmem:$0x178];
	_ =	sdelay $0x4  }
0x259: {  	v55 =	vshll.u32 v3, $0x3  }
0x25a: {  	v3 =	vand.u32 $0x7, v3;
	v4 =	vand.u32 $0xFFFFFFC0, v55  }
0x25b: {  	v3 =	vor.u32 v3, v4  }
0x25c: {  	v4 =	vperm.xlane v3, v0;
	_ =	sdelay $0x1  }
0x25d: {  	v4 =	vadd.s32 v1, v4;
	_ =	sdelay $0x3  }
0x25e: {  	s4 =	simm.s32 $0x4200  }
0x25f: {  	[tilespmem:s4], [sflag:$0x1] =	stream.indirect_vreg.gather [hbm4b:s2+s3], $0x80, v4, vm0, $0xb8;
	[tilespmem:$0x1E200] =	vst v63  }
0x260: {  	v3 =	vperm.xlane v3, v2;
	s4 =	simm.s32 $0x4A00  }
0x261: {  	[tilespmem:s4], [sflag:$0x1] =	stream.indirect_vreg.gather [hbm4b:s5+s3], $0x80, v4, vm0, $0xb8;
	[tilespmem:$0x1E200] =	vst v63  }
0x262: {  	v3 =	vadd.s32 v1, v3;
	s4 =	simm.s32 $0x5200  }
0x263: {  	[tilespmem:s4], [sflag:$0x1] =	stream.indirect_vreg.gather [hbm4b:s6+s3], $0x80, v4, vm0, $0xb8;
	[tilespmem:$0x1E200] =	vst v63  }
0x264: {  	s4 =	simm.s32 $0x5A00  }
0x265: {  	[tilespmem:s4], [sflag:$0x1] =	stream.indirect_vreg.gather [hbm4b:s7+s3], $0x80, v4, vm0, $0xb8;
	[tilespmem:$0x1E200] =	vst v63  }
0x266: {  	s4 =	simm.s32 $0x6200  }
0x267: {  	[tilespmem:s4], [sflag:$0x1] =	stream.indirect_vreg.gather [hbm4b:s2+s3], $0x80, v3, vm0, $0xb8;
	[tilespmem:$0x1E200] =	vst v63  }
0x268: {  	s4 =	simm.s32 $0x6A00  }
0x269: {  	[tilespmem:s4], [sflag:$0x1] =	stream.indirect_vreg.gather [hbm4b:s5+s3], $0x80, v3, vm0, $0xb8;
	[tilespmem:$0x1E200] =	vst v63  }
0x26a: {  	s4 =	simm.s32 $0x7200  }
0x26b: {  	[tilespmem:s4], [sflag:$0x1] =	stream.indirect_vreg.gather [hbm4b:s6+s3], $0x80, v3, vm0, $0xb8;
	[tilespmem:$0x1E200] =	vst v63  }
0x26c: {  	s4 =	simm.s32 $0x7A00  }
0x26d: {  	[tilespmem:s4], [sflag:$0x1] =	stream.indirect_vreg.gather [hbm4b:s7+s3], $0x80, v3, vm0, $0xb8;
	[tilespmem:$0x1E200] =	vst v63  }
0x26e: {  	v3 =	vld [tilespmem:$0x188];
	_ =	sdelay $0x4  }
0x26f: {  	v56 =	vshll.u32 v3, $0x3  }
0x270: {  	v3 =	vand.u32 $0x7, v3;
	v4 =	vand.u32 $0xFFFFFFC0, v56  }
0x271: {  	v3 =	vor.u32 v3, v4  }
0x272: {  	v4 =	vperm.xlane v3, v0;
	_ =	sdelay $0x1  }
0x273: {  	v4 =	vadd.s32 v1, v4;
	_ =	sdelay $0x3  }
0x274: {  	s4 =	simm.s32 $0x8200  }
0x275: {  	[tilespmem:s4], [sflag:$0x1] =	stream.indirect_vreg.gather [hbm4b:s2+s3], $0x80, v4, vm0, $0xb8;
	[tilespmem:$0x1E200] =	vst v63  }
0x276: {  	v3 =	vperm.xlane v3, v2;
	s4 =	simm.s32 $0x8A00  }
0x277: {  	[tilespmem:s4], [sflag:$0x1] =	stream.indirect_vreg.gather [hbm4b:s5+s3], $0x80, v4, vm0, $0xb8;
	[tilespmem:$0x1E200] =	vst v63  }
0x278: {  	v3 =	vadd.s32 v1, v3;
	s4 =	simm.s32 $0x9200  }
0x279: {  	[tilespmem:s4], [sflag:$0x1] =	stream.indirect_vreg.gather [hbm4b:s6+s3], $0x80, v4, vm0, $0xb8;
	[tilespmem:$0x1E200] =	vst v63  }
0x27a: {  	s4 =	simm.s32 $0x9A00  }
0x27b: {  	[tilespmem:s4], [sflag:$0x1] =	stream.indirect_vreg.gather [hbm4b:s7+s3], $0x80, v4, vm0, $0xb8;
	[tilespmem:$0x1E200] =	vst v63  }
0x27c: {  	s4 =	simm.s32 $0xA200  }
0x27d: {  	[tilespmem:s4], [sflag:$0x1] =	stream.indirect_vreg.gather [hbm4b:s2+s3], $0x80, v3, vm0, $0xb8;
	[tilespmem:$0x1E200] =	vst v63  }
0x27e: {  	s4 =	simm.s32 $0xAA00  }
0x27f: {  	[tilespmem:s4], [sflag:$0x1] =	stream.indirect_vreg.gather [hbm4b:s5+s3], $0x80, v3, vm0, $0xb8;
	[tilespmem:$0x1E200] =	vst v63  }
0x280: {  	s4 =	simm.s32 $0xB200  }
0x281: {  	[tilespmem:s4], [sflag:$0x1] =	stream.indirect_vreg.gather [hbm4b:s6+s3], $0x80, v3, vm0, $0xb8;
	[tilespmem:$0x1E200] =	vst v63  }
0x282: {  	s4 =	simm.s32 $0xBA00  }
0x283: {  	[tilespmem:s4], [sflag:$0x1] =	stream.indirect_vreg.gather [hbm4b:s7+s3], $0x80, v3, vm0, $0xb8;
	[tilespmem:$0x1E200] =	vst v63  }
0x284: {  	v3 =	vld.msk [tilespmem:$0x198], $0xff;
	_ =	sdelay $0x4  }
0x285: {  	v57 =	vshll.u32 v3, $0x3  }
0x286: {  	v3 =	vand.u32 $0x7, v3;
	v4 =	vand.u32 $0xFFFFFFC0, v57  }
0x287: {  	v3 =	vor.u32 v3, v4  }
0x288: {  	v3 =	vperm.xlane v3, v0;
	_ =	sdelay $0x1  }
0x289: {  	v3 =	vadd.s32 v1, v3;
	_ =	sdelay $0x3  }
0x28a: {  	s4 =	simm.s32 $0xC200  }
0x28b: {  	[tilespmem:s4], [sflag:$0x1] =	stream.indirect_vreg.gather [hbm4b:s2+s3], $0x80, v3, vm0, $0xb8;
	[tilespmem:$0x1E200] =	vst v63  }
0x28c: {  	s4 =	simm.s32 $0xCA00  }
0x28d: {  	[tilespmem:s4], [sflag:$0x1] =	stream.indirect_vreg.gather [hbm4b:s5+s3], $0x80, v3, vm0, $0xb8;
	[tilespmem:$0x1E200] =	vst v63  }
0x28e: {  	s4 =	simm.s32 $0xD200  }
0x28f: {  	[tilespmem:s4], [sflag:$0x1] =	stream.indirect_vreg.gather [hbm4b:s6+s3], $0x80, v3, vm0, $0xb8;
	[tilespmem:$0x1E200] =	vst v63  }
0x290: {  	s4 =	simm.s32 $0xDA00  }
0x291: {  	[tilespmem:s4], [sflag:$0x1] =	stream.indirect_vreg.gather [hbm4b:s7+s3], $0x80, v3, vm0, $0xb8;
	[tilespmem:$0x1E200] =	vst v63  }
0x292: {  	_ =	swait.ge [sflag:s28], $0x8000  }
0x293: {  	[sflag:s28] =	ssyncset.done $0x0  }
0x294: {  	s4 =	rddreg [dreg:$0xc];
	[sflag:s28] =	ssyncadd.s32 $0xFFFF8000  }
0x295: {  	[hbm4b:s4+s3] =	stream.linear.scatter [tilespmem:s9], [sflag:$0x6], $0x8000, $0x38;
	[tilespmem:$0x1E200] =	vst v63  }
0x296: {  	_ =	swait.ge [sflag:s0], $0x8000  }
0x297: {  	[sflag:s0] =	ssyncset.done $0x0  }
0x298: {  	[sflag:s0] =	ssyncadd.s32 $0xFFFF8000  }
0x299: {  	v3 =	vld [tilespmem:$0x1A0];
	_ =	sdelay $0x4  }
0x29a: {  	v58 =	vshll.u32 v3, $0x3  }
0x29b: {  	v3 =	vand.u32 $0x7, v3;
	v4 =	vand.u32 $0xFFFFFFC0, v58  }
0x29c: {  	v3 =	vor.u32 v3, v4  }
0x29d: {  	v4 =	vperm.xlane v3, v0;
	_ =	sdelay $0x1  }
0x29e: {  	v4 =	vadd.s32 v1, v4;
	_ =	sdelay $0x4  }
0x29f: {  	[tilespmem:s31], [sflag:$0x2] =	stream.indirect_vreg.gather [hbm4b:s2+s3], $0x80, v4, vm0, $0xb8;
	[tilespmem:$0x1E200] =	vst v63  }
0x2a0: {  	s4 =	simm.s32 $0xEA00;
	v3 =	vperm.xlane v3, v2  }
0x2a1: {  	[tilespmem:s4], [sflag:$0x2] =	stream.indirect_vreg.gather [hbm4b:s5+s3], $0x80, v4, vm0, $0xb8;
	[tilespmem:$0x1E200] =	vst v63  }
0x2a2: {  	v3 =	vadd.s32 v1, v3;
	s4 =	simm.s32 $0xF200  }
0x2a3: {  	[tilespmem:s4], [sflag:$0x2] =	stream.indirect_vreg.gather [hbm4b:s6+s3], $0x80, v4, vm0, $0xb8;
	[tilespmem:$0x1E200] =	vst v63  }
0x2a4: {  	s4 =	simm.s32 $0xFA00  }
0x2a5: {  	[tilespmem:s4], [sflag:$0x2] =	stream.indirect_vreg.gather [hbm4b:s7+s3], $0x80, v4, vm0, $0xb8;
	[tilespmem:$0x1E200] =	vst v63  }
0x2a6: {  	s4 =	simm.s32 $0x10200  }
0x2a7: {  	[tilespmem:s4], [sflag:$0x2] =	stream.indirect_vreg.gather [hbm4b:s2+s3], $0x80, v3, vm0, $0xb8;
	[tilespmem:$0x1E200] =	vst v63  }
0x2a8: {  	s4 =	simm.s32 $0x10A00  }
0x2a9: {  	[tilespmem:s4], [sflag:$0x2] =	stream.indirect_vreg.gather [hbm4b:s5+s3], $0x80, v3, vm0, $0xb8;
	[tilespmem:$0x1E200] =	vst v63  }
0x2aa: {  	s4 =	simm.s32 $0x11200  }
0x2ab: {  	[tilespmem:s4], [sflag:$0x2] =	stream.indirect_vreg.gather [hbm4b:s6+s3], $0x80, v3, vm0, $0xb8;
	[tilespmem:$0x1E200] =	vst v63  }
0x2ac: {  	s4 =	simm.s32 $0x11A00  }
0x2ad: {  	[tilespmem:s4], [sflag:$0x2] =	stream.indirect_vreg.gather [hbm4b:s7+s3], $0x80, v3, vm0, $0xb8;
	[tilespmem:$0x1E200] =	vst v63  }
0x2ae: {  	v3 =	vld [tilespmem:$0x1B0];
	_ =	sdelay $0x4  }
0x2af: {  	v59 =	vshll.u32 v3, $0x3  }
0x2b0: {  	v3 =	vand.u32 $0x7, v3;
	v4 =	vand.u32 $0xFFFFFFC0, v59  }
0x2b1: {  	v3 =	vor.u32 v3, v4  }
0x2b2: {  	v4 =	vperm.xlane v3, v0;
	_ =	sdelay $0x1  }
0x2b3: {  	v4 =	vadd.s32 v1, v4;
	_ =	sdelay $0x3  }
0x2b4: {  	s4 =	simm.s32 $0x12200  }
0x2b5: {  	[tilespmem:s4], [sflag:$0x2] =	stream.indirect_vreg.gather [hbm4b:s2+s3], $0x80, v4, vm0, $0xb8;
	[tilespmem:$0x1E200] =	vst v63  }
0x2b6: {  	v3 =	vperm.xlane v3, v2;
	s4 =	simm.s32 $0x12A00  }
0x2b7: {  	[tilespmem:s4], [sflag:$0x2] =	stream.indirect_vreg.gather [hbm4b:s5+s3], $0x80, v4, vm0, $0xb8;
	[tilespmem:$0x1E200] =	vst v63  }
0x2b8: {  	v3 =	vadd.s32 v1, v3;
	s4 =	simm.s32 $0x13200  }
0x2b9: {  	[tilespmem:s4], [sflag:$0x2] =	stream.indirect_vreg.gather [hbm4b:s6+s3], $0x80, v4, vm0, $0xb8;
	[tilespmem:$0x1E200] =	vst v63  }
0x2ba: {  	s4 =	simm.s32 $0x13A00  }
0x2bb: {  	[tilespmem:s4], [sflag:$0x2] =	stream.indirect_vreg.gather [hbm4b:s7+s3], $0x80, v4, vm0, $0xb8;
	[tilespmem:$0x1E200] =	vst v63  }
0x2bc: {  	s4 =	simm.s32 $0x14200  }
0x2bd: {  	[tilespmem:s4], [sflag:$0x2] =	stream.indirect_vreg.gather [hbm4b:s2+s3], $0x80, v3, vm0, $0xb8;
	[tilespmem:$0x1E200] =	vst v63  }
0x2be: {  	s4 =	simm.s32 $0x14A00  }
0x2bf: {  	[tilespmem:s4], [sflag:$0x2] =	stream.indirect_vreg.gather [hbm4b:s5+s3], $0x80, v3, vm0, $0xb8;
	[tilespmem:$0x1E200] =	vst v63  }
0x2c0: {  	s4 =	simm.s32 $0x15200  }
0x2c1: {  	[tilespmem:s4], [sflag:$0x2] =	stream.indirect_vreg.gather [hbm4b:s6+s3], $0x80, v3, vm0, $0xb8;
	[tilespmem:$0x1E200] =	vst v63  }
0x2c2: {  	s4 =	simm.s32 $0x15A00  }
0x2c3: {  	[tilespmem:s4], [sflag:$0x2] =	stream.indirect_vreg.gather [hbm4b:s7+s3], $0x80, v3, vm0, $0xb8;
	[tilespmem:$0x1E200] =	vst v63  }
0x2c4: {  	_ =	swait.ge [sflag:s29], $0xE000  }
0x2c5: {  	[sflag:s29] =	ssyncset.done $0x0  }
0x2c6: {  	s4 =	rddreg [dreg:$0xd];
	[sflag:s29] =	ssyncadd.s32 $0xFFFF2000  }
0x2c7: {  	[hbm4b:s4+s3] =	stream.linear.scatter [tilespmem:s25], [sflag:$0x4], $0xE000, $0x38;
	[tilespmem:$0x1E200] =	vst v63  }
0x2c8: {  	_ =	swait.ge [sflag:s1], $0x8000  }
0x2c9: {  	[sflag:s1] =	ssyncset.done $0x0  }
0x2ca: {  	[sflag:s1] =	ssyncadd.s32 $0xFFFF8000  }
0x2cb: {  	v3 =	vld [tilespmem:$0x1C0];
	_ =	sdelay $0x4  }
0x2cc: {  	v60 =	vshll.u32 v3, $0x3  }
0x2cd: {  	v3 =	vand.u32 $0x7, v3;
	v4 =	vand.u32 $0xFFFFFFC0, v60  }
0x2ce: {  	v3 =	vor.u32 v3, v4  }
0x2cf: {  	v4 =	vperm.xlane v3, v0;
	_ =	sdelay $0x1  }
0x2d0: {  	v4 =	vadd.s32 v1, v4;
	_ =	sdelay $0x4  }
0x2d1: {  	[tilespmem:s9], [sflag:$0x3] =	stream.indirect_vreg.gather [hbm4b:s2+s3], $0x80, v4, vm0, $0xb8;
	[tilespmem:$0x1E200] =	vst v63  }
0x2d2: {  	s4 =	simm.s32 $0x16A00;
	v3 =	vperm.xlane v3, v2  }
0x2d3: {  	[tilespmem:s4], [sflag:$0x3] =	stream.indirect_vreg.gather [hbm4b:s5+s3], $0x80, v4, vm0, $0xb8;
	[tilespmem:$0x1E200] =	vst v63  }
0x2d4: {  	s23 =	simm.s32 $0x17200;
	v3 =	vadd.s32 v1, v3  }
0x2d5: {  	[tilespmem:s23], [sflag:$0x3] =	stream.indirect_vreg.gather [hbm4b:s6+s3], $0x80, v4, vm0, $0xb8;
	[tilespmem:$0x1E200] =	vst v63  }
0x2d6: {  	s11 =	simm.s32 $0x17A00  }
0x2d7: {  	[tilespmem:s11], [sflag:$0x3] =	stream.indirect_vreg.gather [hbm4b:s7+s3], $0x80, v4, vm0, $0xb8;
	[tilespmem:$0x1E200] =	vst v63  }
0x2d8: {  	s12 =	simm.s32 $0x18200  }
0x2d9: {  	[tilespmem:s12], [sflag:$0x3] =	stream.indirect_vreg.gather [hbm4b:s2+s3], $0x80, v3, vm0, $0xb8;
	[tilespmem:$0x1E200] =	vst v63  }
0x2da: {  	s13 =	simm.s32 $0x18A00  }
0x2db: {  	[tilespmem:s13], [sflag:$0x3] =	stream.indirect_vreg.gather [hbm4b:s5+s3], $0x80, v3, vm0, $0xb8;
	[tilespmem:$0x1E200] =	vst v63  }
0x2dc: {  	s14 =	simm.s32 $0x19200  }
0x2dd: {  	[tilespmem:s14], [sflag:$0x3] =	stream.indirect_vreg.gather [hbm4b:s6+s3], $0x80, v3, vm0, $0xb8;
	[tilespmem:$0x1E200] =	vst v63  }
0x2de: {  	s14 =	simm.s32 $0x19A00  }
0x2df: {  	[tilespmem:s14], [sflag:$0x3] =	stream.indirect_vreg.gather [hbm4b:s7+s3], $0x80, v3, vm0, $0xb8;
	[tilespmem:$0x1E200] =	vst v63  }
0x2e0: {  	v3 =	vld [tilespmem:$0x1D0];
	_ =	sdelay $0x4  }
0x2e1: {  	v61 =	vshll.u32 v3, $0x3  }
0x2e2: {  	v3 =	vand.u32 $0x7, v3;
	v4 =	vand.u32 $0xFFFFFFC0, v61  }
0x2e3: {  	v3 =	vor.u32 v3, v4  }
0x2e4: {  	v4 =	vperm.xlane v3, v0;
	_ =	sdelay $0x1  }
0x2e5: {  	v4 =	vadd.s32 v1, v4;
	_ =	sdelay $0x3  }
0x2e6: {  	s23 =	simm.s32 $0x1A200  }
0x2e7: {  	[tilespmem:s23], [sflag:$0x3] =	stream.indirect_vreg.gather [hbm4b:s2+s3], $0x80, v4, vm0, $0xb8;
	[tilespmem:$0x1E200] =	vst v63  }
0x2e8: {  	s11 =	simm.s32 $0x1AA00;
	v3 =	vperm.xlane v3, v2  }
0x2e9: {  	[tilespmem:s11], [sflag:$0x3] =	stream.indirect_vreg.gather [hbm4b:s5+s3], $0x80, v4, vm0, $0xb8;
	[tilespmem:$0x1E200] =	vst v63  }
0x2ea: {  	s24 =	simm.s32 $0x1B200;
	v3 =	vadd.s32 v1, v3  }
0x2eb: {  	[tilespmem:s24], [sflag:$0x3] =	stream.indirect_vreg.gather [hbm4b:s6+s3], $0x80, v4, vm0, $0xb8;
	[tilespmem:$0x1E200] =	vst v63  }
0x2ec: {  	s15 =	simm.s32 $0x1BA00  }
0x2ed: {  	[tilespmem:s15], [sflag:$0x3] =	stream.indirect_vreg.gather [hbm4b:s7+s3], $0x80, v4, vm0, $0xb8;
	[tilespmem:$0x1E200] =	vst v63  }
0x2ee: {  	s16 =	simm.s32 $0x1C200  }
0x2ef: {  	[tilespmem:s16], [sflag:$0x3] =	stream.indirect_vreg.gather [hbm4b:s2+s3], $0x80, v3, vm0, $0xb8;
	[tilespmem:$0x1E200] =	vst v63  }
0x2f0: {  	s17 =	simm.s32 $0x1CA00  }
0x2f1: {  	[tilespmem:s17], [sflag:$0x3] =	stream.indirect_vreg.gather [hbm4b:s5+s3], $0x80, v3, vm0, $0xb8;
	[tilespmem:$0x1E200] =	vst v63  }
0x2f2: {  	s18 =	simm.s32 $0x1D200  }
0x2f3: {  	[tilespmem:s18], [sflag:$0x3] =	stream.indirect_vreg.gather [hbm4b:s6+s3], $0x80, v3, vm0, $0xb8;
	[tilespmem:$0x1E200] =	vst v63  }
0x2f4: {  	s12 =	simm.s32 $0x1DA00  }
0x2f5: {  	[tilespmem:s12], [sflag:$0x3] =	stream.indirect_vreg.gather [hbm4b:s7+s3], $0x80, v3, vm0, $0xb8;
	[tilespmem:$0x1E200] =	vst v63  }
0x2f6: {  	_ =	swait.ge [sflag:s10], $0x8000  }
0x2f7: {  	[sflag:s10] =	ssyncset.done $0x0  }
0x2f8: {  	s13 =	rddreg [dreg:$0xe];
	[sflag:s10] =	ssyncadd.s32 $0xFFFF8000  }
0x2f9: {  	[hbm4b:s13+s3] =	stream.linear.scatter [tilespmem:s31], [sflag:$0x5], $0x8000, $0x38;
	[tilespmem:$0x1E200] =	vst v63  }
0x2fa: {  	_ =	swait.ge [sflag:s26], $0xE000  }
0x2fb: {  	[sflag:s26] =	ssyncset.done $0x0  }
0x2fc: {  	[sflag:s26] =	ssyncadd.s32 $0xFFFF2000  }
0x2fd: {  	v3 =	vld [tilespmem:$0x1E0];
	_ =	sdelay $0x4  }
0x2fe: {  	v62 =	vshll.u32 v3, $0x3  }
0x2ff: {  	v3 =	vand.u32 $0x7, v3;
	v4 =	vand.u32 $0xFFFFFFC0, v62  }
0x300: {  	v3 =	vor.u32 v3, v4  }
0x301: {  	v4 =	vperm.xlane v3, v0;
	_ =	sdelay $0x1  }
0x302: {  	v4 =	vadd.s32 v1, v4;
	_ =	sdelay $0x4  }
0x303: {  	[tilespmem:s25], [sflag:$0x1] =	stream.indirect_vreg.gather [hbm4b:s2+s3], $0x80, v4, vm0, $0xb8;
	[tilespmem:$0x1E200] =	vst v63  }
0x304: {  	s14 =	simm.s32 $0xA00;
	v3 =	vperm.xlane v3, v2  }
0x305: {  	[tilespmem:s14], [sflag:$0x1] =	stream.indirect_vreg.gather [hbm4b:s5+s3], $0x80, v4, vm0, $0xb8;
	[tilespmem:$0x1E200] =	vst v63  }
0x306: {  	s19 =	simm.s32 $0x1200;
	v3 =	vadd.s32 v1, v3  }
0x307: {  	[tilespmem:s19], [sflag:$0x1] =	stream.indirect_vreg.gather [hbm4b:s6+s3], $0x80, v4, vm0, $0xb8;
	[tilespmem:$0x1E200] =	vst v63  }
0x308: {  	s30 =	simm.s32 $0x1A00  }
0x309: {  	[tilespmem:s30], [sflag:$0x1] =	stream.indirect_vreg.gather [hbm4b:s7+s3], $0x80, v4, vm0, $0xb8;
	[tilespmem:$0x1E200] =	vst v63  }
0x30a: {  	s20 =	simm.s32 $0x2200  }
0x30b: {  	[tilespmem:s20], [sflag:$0x1] =	stream.indirect_vreg.gather [hbm4b:s2+s3], $0x80, v3, vm0, $0xb8;
	[tilespmem:$0x1E200] =	vst v63  }
0x30c: {  	s21 =	simm.s32 $0x2A00  }
0x30d: {  	[tilespmem:s21], [sflag:$0x1] =	stream.indirect_vreg.gather [hbm4b:s5+s3], $0x80, v3, vm0, $0xb8;
	[tilespmem:$0x1E200] =	vst v63  }
0x30e: {  	s22 =	simm.s32 $0x3200  }
0x30f: {  	[tilespmem:s22], [sflag:$0x1] =	stream.indirect_vreg.gather [hbm4b:s6+s3], $0x80, v3, vm0, $0xb8;
	[tilespmem:$0x1E200] =	vst v63  }
0x310: {  	s15 =	simm.s32 $0x3A00  }
0x311: {  	[tilespmem:s15], [sflag:$0x1] =	stream.indirect_vreg.gather [hbm4b:s7+s3], $0x80, v3, vm0, $0xb8;
	[tilespmem:$0x1E200] =	vst v63  }
0x312: {  	v3 =	vld [tilespmem:$0x1F0];
	_ =	sdelay $0x4  }
0x313: {  	v63 =	vshll.u32 v3, $0x3  }
0x314: {  	v3 =	vand.u32 $0x7, v3;
	v4 =	vand.u32 $0xFFFFFFC0, v63  }
0x315: {  	v3 =	vor.u32 v3, v4  }
0x316: {  	v4 =	vperm.xlane v3, v0;
	_ =	sdelay $0x1  }
0x317: {  	v4 =	vadd.s32 v1, v4;
	_ =	sdelay $0x3  }
0x318: {  	s16 =	simm.s32 $0x4200  }
0x319: {  	[tilespmem:s16], [sflag:$0x1] =	stream.indirect_vreg.gather [hbm4b:s2+s3], $0x80, v4, vm0, $0xb8;
	[tilespmem:$0x1E200] =	vst v63  }
0x31a: {  	s17 =	simm.s32 $0x4A00;
	v3 =	vperm.xlane v3, v2  }
0x31b: {  	[tilespmem:s17], [sflag:$0x1] =	stream.indirect_vreg.gather [hbm4b:s5+s3], $0x80, v4, vm0, $0xb8;
	[tilespmem:$0x1E200] =	vst v63  }
0x31c: {  	s18 =	simm.s32 $0x5200;
	v3 =	vadd.s32 v1, v3  }
0x31d: {  	[tilespmem:s18], [sflag:$0x1] =	stream.indirect_vreg.gather [hbm4b:s6+s3], $0x80, v4, vm0, $0xb8;
	[tilespmem:$0x1E200] =	vst v63  }
0x31e: {  	s19 =	simm.s32 $0x5A00  }
0x31f: {  	[tilespmem:s19], [sflag:$0x1] =	stream.indirect_vreg.gather [hbm4b:s7+s3], $0x80, v4, vm0, $0xb8;
	[tilespmem:$0x1E200] =	vst v63  }
0x320: {  	s20 =	simm.s32 $0x6200  }
0x321: {  	[tilespmem:s20], [sflag:$0x1] =	stream.indirect_vreg.gather [hbm4b:s2+s3], $0x80, v3, vm0, $0xb8;
	[tilespmem:$0x1E200] =	vst v63  }
0x322: {  	s21 =	simm.s32 $0x6A00  }
0x323: {  	[tilespmem:s21], [sflag:$0x1] =	stream.indirect_vreg.gather [hbm4b:s5+s3], $0x80, v3, vm0, $0xb8;
	[tilespmem:$0x1E200] =	vst v63  }
0x324: {  	s22 =	simm.s32 $0x7200  }
0x325: {  	[tilespmem:s22], [sflag:$0x1] =	stream.indirect_vreg.gather [hbm4b:s6+s3], $0x80, v3, vm0, $0xb8;
	[tilespmem:$0x1E200] =	vst v63  }
0x326: {  	s23 =	simm.s32 $0x7A00  }
0x327: {  	[tilespmem:s23], [sflag:$0x1] =	stream.indirect_vreg.gather [hbm4b:s7+s3], $0x80, v3, vm0, $0xb8;
	[tilespmem:$0x1E200] =	vst v63  }
0x328: {  	_ =	swait.ge [sflag:s28], $0x8000  }
0x329: {  	[sflag:s28] =	ssyncset.done $0x0  }
0x32a: {  	s24 =	rddreg [dreg:$0xf];
	[sflag:s28] =	ssyncadd.s32 $0xFFFF8000  }
0x32b: {  	[hbm4b:s24+s3] =	stream.linear.scatter [tilespmem:s9], [sflag:$0x6], $0x8000, $0x38;
	[tilespmem:$0x1E200] =	vst v63  }
0x32c: {  	_ =	swait.ge [sflag:s29], $0x8000  }
0x32d: {  	[sflag:s29] =	ssyncset.done $0x0  }
0x32e: {  	s30 =	rddreg [dreg:$0x10];
	[sflag:s29] =	ssyncadd.s32 $0xFFFF8000  }
0x32f: {  	[hbm4b:s30+s3] =	stream.linear.scatter [tilespmem:s25], [sflag:$0x4], $0x8000, $0x38;
	[tilespmem:$0x1E200] =	vst v63  }
0x330: {  	_ =	swait.ge [sflag:s26], $0x8000  }
0x331: {  	[sflag:s26] =	ssyncset.done $0x0  }
0x332: {  	[sflag:s26] =	ssyncadd.s32 $0xFFFF8000  }
0x333: {  	p0 =	sne.s32 s8, $0x1;
	_ =	swait.ge [sflag:s0], $0x8000  }
.Ltmp0:
0x334: {  	[sflag:s0] =	ssyncset.done $0x0;
	(pc) =	sbr.rel @p0 .LBB2_1-.Ltmp0, $4  }
0x335: {  	[sflag:s0] =	ssyncadd.s32 $0xFFFF8000  }
0x336: {  	_ =	swait.ge [sflag:s1], $0x8000  }
0x337: {  	[sflag:s1] =	ssyncset.done $0x0  }
0x338: {  	s8 =	sadd.s32 $0xFFFFFFFF, s8;
	[sflag:s1] =	ssyncadd.s32 $0xFFFF8000  }
0x339: {  	_ =	sfence.sel $0x180000  }
0x33a: {  	[bflag:$0x0] =	sbarrier.arrive $0xFFFF  }
0x33b: {  	_ =	strace $0x90000047  }
0x33c: {  	s0 =	stileid.u32;
	[bflag:$0x2] =	sbarrier.arrive $0xFFFF  }
0x33d: {  	p0 =	sne.s32 s0, $0x0;
	s0 =	rddreg [dreg:$0x3]  }
0x33e: {  	s0 =	sadd.s32 @!p0 $0x100000, s0  }
0x33f: {  	[sflag:s0] =	ssyncadd.tile.s32 @!p0 $0x1;
	_ =	shalt  }
.Lfunc_end2:
_tile_overlayer_lowered:
.L_overlay_start_2:
0x340: {  	(tag) =	ssettag $0x2  }
0x341: {  	s0 =	rddreg [dreg:$0x0];
	s2 =	stileid.u32  }
0x342: {  	s1 =	rddreg [dreg:$0x1];
	p0 =	sne.s32 s2, $0x0  }
0x343: {  	s3 =	rddreg [dreg:$0x2];
	[bflag:$0x3] =	sbarrier.arrive $0xFFFF;
	s2 =	simm.s32 @!p0 $0x1C07  }
0x344: {  	[timem:s3], [sflag:s2] =	dma.local @!p0 [hbm:s0], s1  }
0x345: {  	s0 =	simm.s32 @!p0 $0x7  }
0x346: {  	_ =	swait.ge @!p0 [sflag:s0], s1  }
0x347: {  	s1 =	ssub.s32 @!p0 $0x0, s1;
	[sflag:s0] =	ssyncset.done @!p0 $0x0  }
0x348: {  	[sflag:s0] =	ssyncadd.s32 @!p0 s1  }
0x349: {  	[bflag:$0x3] =	sbarrier.arrive $0xFFFF  }
0x34a: {  	_ =	shalt  }

</sc_bundles>
